<compile_context>
chip_gen: v7x
topology: tpu7x:2x2x1
jax: 0.10.2.dev20260603
libtpu: 0.0.44.dev20260713+nightly
codegen_flags: <defaults>
</compile_context>

<pallas_src>
import functools

import jax
import jax.numpy as jnp
from jax import lax
from jax.experimental import pallas as pl
from jax.experimental.pallas import tpu as pltpu
from jax.experimental.pallas import tpu_sc as plsc

_PROPOSAL_COUNT = 1000
_K = 6000
_NMS_THRESHOLD = 0.7
_NEG_F = -1e9

_R = 160
_C = 128
_PAD_N = _R * _C
_B = 2

_GR = 48
_G = _GR * _C
_NF = 16
_NSUB = 32
_CHUNK = (_B * _PAD_N) // _NSUB
_NGROUP = _CHUNK // 128
_OUT_ROWS = _B * _G + _B * _R


def _select_body(scores_ref, sw_ref, dest_ref):
    NEG = jnp.float32(_NEG_F)
    idx2d = (lax.broadcasted_iota(jnp.int32, (_R, _C), 0) * _C
             + lax.broadcasted_iota(jnp.int32, (_R, _C), 1))
    row2d = lax.broadcasted_iota(jnp.int32, (_R, _C), 0)
    tri_c = (lax.broadcasted_iota(jnp.int32, (_C, _C), 0)
             <= lax.broadcasted_iota(jnp.int32, (_C, _C), 1)).astype(jnp.float32)
    tri_r = (lax.broadcasted_iota(jnp.int32, (_R, _R), 0)
             > lax.broadcasted_iota(jnp.int32, (_R, _R), 1)).astype(jnp.float32)
    K = jnp.int32(_K)
    for b in range(_B):
        sc = scores_ref[b]
        keys = lax.bitcast_convert_type(sc, jnp.int32)

        def bs_bits(_, carry):
            lo, hi = carry
            mid = (lo + hi) >> 1
            cnt = jnp.sum(jnp.where(keys >= mid, jnp.int32(1), jnp.int32(0)))
            ge = cnt >= K
            return jnp.where(ge, mid, lo), jnp.where(ge, hi, mid)

        v_lo, _ = lax.fori_loop(
            0, 31, bs_bits, (jnp.int32(0), jnp.int32(0x3F800000)))
        c_gt = jnp.sum(jnp.where(keys > v_lo, jnp.int32(1), jnp.int32(0)))
        need = K - c_gt
        eq = keys == v_lo

        def bs_idx(_, carry):
            lo_i, hi_i = carry
            mid = (lo_i + hi_i) >> 1
            cnt = jnp.sum(jnp.where(eq & (idx2d < mid),
                                    jnp.int32(1), jnp.int32(0)))
            ge = cnt >= need
            return jnp.where(ge, lo_i, mid), jnp.where(ge, mid, hi_i)

        _, i_hi = lax.fori_loop(
            0, 15, bs_idx, (jnp.int32(0), jnp.int32(_PAD_N)))
        mask = (keys > v_lo) | (eq & (idx2d < i_hi))
        sw_ref[b] = jnp.where(mask, sc, NEG)

        mf = mask.astype(jnp.float32)
        p_in = jnp.dot(mf, tri_c, preferred_element_type=jnp.float32)
        row_sums = p_in[:, _C - 1:_C]
        row_off = jnp.dot(tri_r, row_sums,
                          preferred_element_type=jnp.float32)
        rank = (p_in - mf) + row_off
        rank_i = rank.astype(jnp.int32)
        dest_ref[b] = jnp.where(
            mask, jnp.int32(b * _G) + rank_i,
            jnp.int32(_B * _G + b * _R) + row2d)


def _sc_scatter(rows, dest):
    info = plsc.get_sparse_core_info()
    mesh = plsc.VectorSubcoreMesh(core_axis_name="c", subcore_axis_name="s")

    @functools.partial(
        pl.kernel, mesh=mesh,
        compiler_params=pltpu.CompilerParams(use_tc_tiling_on_sc=False),
        out_type=jax.ShapeDtypeStruct((_OUT_ROWS, _NF), jnp.float32),
        scratch_types=[
            pltpu.VMEM((_CHUNK, _NF), jnp.float32),
            pltpu.VMEM((_NGROUP, 128), jnp.int32),
            pltpu.SemaphoreType.DMA,
        ],
    )
    def body(rows_hbm, dest_hbm, out_hbm, rows_v, idx_v, sem):
        w = lax.axis_index("s") * info.num_cores + lax.axis_index("c")
        base = w * _CHUNK
        pltpu.sync_copy(rows_hbm.at[pl.ds(base, _CHUNK)], rows_v)
        pltpu.sync_copy(dest_hbm.at[w], idx_v)
        cps = [
            pltpu.async_copy(rows_v.at[pl.ds(j * 128, 128)],
                             out_hbm.at[idx_v.at[j]], sem)
            for j in range(_NGROUP)
        ]
        for cp in cps:
            cp.wait()

    return body(rows, dest)


def _nms_body(g_ref, out_ref, by1_ref, bx1_ref, by2_ref, bx2_ref,
              areas_ref):
    NEG = jnp.float32(_NEG_F)
    zero = jnp.float32(0.0)
    one = jnp.float32(1.0)
    idx3d = jnp.broadcast_to(
        lax.broadcasted_iota(jnp.int32, (_GR, _C), 0) * _C
        + lax.broadcasted_iota(jnp.int32, (_GR, _C), 1), (_B, _GR, _C))

    dy = g_ref[1] * jnp.float32(0.1)
    dx = g_ref[2] * jnp.float32(0.1)
    dh = g_ref[3] * jnp.float32(0.2)
    dw = g_ref[4] * jnp.float32(0.2)
    ay1 = g_ref[5]
    ax1 = g_ref[6]
    ay2 = g_ref[7]
    ax2 = g_ref[8]
    h = ay2 - ay1
    w = ax2 - ax1
    cy = ay1 + jnp.float32(0.5) * h
    cx = ax1 + jnp.float32(0.5) * w
    cy = cy + dy * h
    cx = cx + dx * w
    h = h * jnp.exp(dh)
    w = w * jnp.exp(dw)
    y1 = cy - jnp.float32(0.5) * h
    x1 = cx - jnp.float32(0.5) * w
    y2 = y1 + h
    x2 = x1 + w
    y1 = jnp.maximum(jnp.minimum(y1, one), zero)
    x1 = jnp.maximum(jnp.minimum(x1, one), zero)
    y2 = jnp.maximum(jnp.minimum(y2, one), zero)
    x2 = jnp.maximum(jnp.minimum(x2, one), zero)
    by1_ref[...] = y1
    bx1_ref[...] = x1
    by2_ref[...] = y2
    bx2_ref[...] = x2
    areas_ref[...] = (y2 - y1) * (x2 - x1)

    lane3 = lax.broadcasted_iota(jnp.int32, (1, 1, _C), 2)
    big = jnp.int32(1 << 30)
    thresh = jnp.float32(_NMS_THRESHOLD)
    eps = jnp.float32(1e-8)
    keep_floor = NEG * jnp.float32(0.5)

    idx3f = idx3d.astype(jnp.float32)
    bigf = jnp.float32(1 << 30)

    def _red(x, op):
        t = op(x, axis=1, keepdims=True)
        return op(t, axis=2, keepdims=True)

    def _pick(sw, y1p, x1p, y2p, x2p):
        m = _red(sw, jnp.max)
        mi = _red(jnp.where(sw == m, idx3f, bigf), jnp.min)
        oh = idx3f == mi
        b_y1 = _red(jnp.where(oh, y1p, zero), jnp.sum)
        b_x1 = _red(jnp.where(oh, x1p, zero), jnp.sum)
        b_y2 = _red(jnp.where(oh, y2p, zero), jnp.sum)
        b_x2 = _red(jnp.where(oh, x2p, zero), jnp.sum)
        return m, oh, (b_y1, b_x1, b_y2, b_x2)

    def _iou(bb, y1p, x1p, y2p, x2p, areas):
        b_y1, b_x1, b_y2, b_x2 = bb
        area_best = (b_y2 - b_y1) * (b_x2 - b_x1)
        yy1 = jnp.maximum(b_y1, y1p)
        xx1 = jnp.maximum(b_x1, x1p)
        yy2 = jnp.minimum(b_y2, y2p)
        xx2 = jnp.minimum(b_x2, x2p)
        inter = (jnp.maximum(yy2 - yy1, zero)
                 * jnp.maximum(xx2 - xx1, zero))
        return inter / (areas + area_best - inter + eps)

    def _row(m, bb):
        keep = m > keep_floor
        vals = jnp.where(lane3 == 0, bb[0],
                         jnp.where(lane3 == 1, bb[1],
                                   jnp.where(lane3 == 2, bb[2], bb[3])))
        return jnp.where(keep, vals, zero)

    lane3 = lax.broadcasted_iota(jnp.int32, (1, 1, _C), 2)
    thresh = jnp.float32(_NMS_THRESHOLD)
    eps = jnp.float32(1e-8)
    keep_floor = NEG * jnp.float32(0.5)
    npc = jnp.int32(_PROPOSAL_COUNT)

    def cond(carry):
        cnt, _ = carry
        return cnt < npc

    def body(carry):
        cnt, sw = carry
        y1p = by1_ref[...]
        x1p = bx1_ref[...]
        y2p = by2_ref[...]
        x2p = bx2_ref[...]
        areas = areas_ref[...]
        m1, oh1, bb1 = _pick(sw, y1p, x1p, y2p, x2p)
        sw_wo1 = jnp.where(oh1, NEG, sw)
        m2, oh2, bb2 = _pick(sw_wo1, y1p, x1p, y2p, x2p)
        iou1 = _iou(bb1, y1p, x1p, y2p, x2p, areas)
        iou2 = _iou(bb2, y1p, x1p, y2p, x2p, areas)
        i12 = _red(jnp.where(oh2, iou1, zero), jnp.sum)
        acceptB = i12 < thresh
        acc_i = jnp.min(jnp.where(acceptB, jnp.int32(1), jnp.int32(0)))
        acc_s = acc_i > 0
        sw_new = jnp.where((iou1 >= thresh)
                           | (jnp.logical_and(acc_s, iou2 >= thresh)),
                           NEG, sw)
        out_ref[:, pl.ds(cnt, 1), :] = _row(m1, bb1)

        @pl.when(jnp.logical_and(acc_s, cnt < npc - 1))
        def _():
            out_ref[:, pl.ds(cnt + 1, 1), :] = _row(m2, bb2)

        return cnt + 1 + acc_i, sw_new

    lax.while_loop(cond, body,
                   (jnp.int32(0), jnp.where(idx3d < _K, g_ref[0], NEG)))


@jax.jit
def kernel(rpn_class, rpn_bbox, anchors):
    B, N = rpn_class.shape[0], rpn_class.shape[1]
    pad = _PAD_N - N
    scores_p = jnp.pad(rpn_class[:, :, 1], ((0, 0), (0, pad)),
                       constant_values=-1.0).reshape(B, _R, _C)

    sw, dest = pl.pallas_call(
        _select_body,
        out_shape=(jax.ShapeDtypeStruct((B, _R, _C), jnp.float32),
                   jax.ShapeDtypeStruct((B, _R, _C), jnp.int32)),
    )(scores_p)

    fields = jnp.concatenate(
        [sw.reshape(B, _PAD_N, 1),
         jnp.pad(rpn_bbox, ((0, 0), (0, pad), (0, 0))),
         jnp.pad(anchors, ((0, 0), (0, pad), (0, 0)))], axis=2)
    rows = jnp.pad(fields, ((0, 0), (0, 0), (0, _NF - 9))).reshape(
        B * _PAD_N, _NF)
    dest_c = dest.reshape(_NSUB, _NGROUP, 128)

    packed = _sc_scatter(rows, dest_c)

    g = packed[:_B * _G].reshape(_B, _G, _NF)
    g = jnp.transpose(g, (2, 0, 1)).reshape(_NF, _B, _GR, _C)

    plane = pltpu.VMEM((_B, _GR, _C), jnp.float32)
    out = pl.pallas_call(
        _nms_body,
        out_shape=jax.ShapeDtypeStruct((_B, _PROPOSAL_COUNT, _C), jnp.float32),
        scratch_shapes=[plane] * 5,
    )(g)
    return out[:, :, :4]

# --- scband reference (transcript-rebuilt; emitter-appended) ---
"""Pipeline reference for scband-proposal-layer-5317169512504 (READ-ONLY COPY).

The authoritative reference and input builder live on the scoring server;
editing this copy changes nothing except your own understanding.
"""

import jax, jax.numpy as jnp
import numpy as np

PROPOSAL_COUNT = 1000
NMS_THRESHOLD = 0.7
PRE_NMS_LIMIT = 6000
RPN_BBOX_STD_DEV = np.array([0.1, 0.1, 0.2, 0.2], dtype=np.float32)


def setup_inputs(seed: int = 0) -> dict:
    key = jax.random.key(seed)
    B, N = 2, 20000
    k1, k2, k3, k4, k5, k6 = jax.random.split(key, 6)
    rpn_class = jax.random.uniform(k1, (B, N, 2), dtype=jnp.float32)
    rpn_bbox = jax.random.normal(k2, (B, N, 4), dtype=jnp.float32)
    # valid anchors in normalized coords (y1 < y2, x1 < x2)
    cy = jax.random.uniform(k3, (B, N), dtype=jnp.float32)
    cx = jax.random.uniform(k4, (B, N), dtype=jnp.float32)
    h = jax.random.uniform(k5, (B, N), dtype=jnp.float32) * 0.2 + 0.02
    w = jax.random.uniform(k6, (B, N), dtype=jnp.float32) * 0.2 + 0.02
    anchors = jnp.stack([cy - h / 2.0, cx - w / 2.0, cy + h / 2.0, cx + w / 2.0], axis=-1)
    return {"rpn_class": rpn_class, "rpn_bbox": rpn_bbox, "anchors": anchors}


def apply_box_deltas(boxes, deltas):
    height = boxes[:, 2] - boxes[:, 0]
    width = boxes[:, 3] - boxes[:, 1]
    center_y = boxes[:, 0] + 0.5 * height
    center_x = boxes[:, 1] + 0.5 * width
    center_y = center_y + deltas[:, 0] * height
    center_x = center_x + deltas[:, 1] * width
    height = height * jnp.exp(deltas[:, 2])
    width = width * jnp.exp(deltas[:, 3])
    y1 = center_y - 0.5 * height
    x1 = center_x - 0.5 * width
    y2 = y1 + height
    x2 = x1 + width
    return jnp.stack([y1, x1, y2, x2], axis=1)


def clip_boxes(boxes, window):
    wy1, wx1, wy2, wx2 = window[0], window[1], window[2], window[3]
    y1 = jnp.maximum(jnp.minimum(boxes[:, 0], wy2), wy1)
    x1 = jnp.maximum(jnp.minimum(boxes[:, 1], wx2), wx1)
    y2 = jnp.maximum(jnp.minimum(boxes[:, 2], wy2), wy1)
    x2 = jnp.maximum(jnp.minimum(boxes[:, 3], wx2), wx1)
    return jnp.stack([y1, x1, y2, x2], axis=1)


def nms_single(boxes, scores):
    # greedy NMS, output padded with zeros to PROPOSAL_COUNT (matches tf.image.non_max_suppression + pad)
    areas = (boxes[:, 2] - boxes[:, 0]) * (boxes[:, 3] - boxes[:, 1])
    NEG = jnp.float32(-1e9)

    def step(scores_w, _):
        idx = jnp.argmax(scores_w)
        best_score = scores_w[idx]
        best = boxes[idx]
        yy1 = jnp.maximum(best[0], boxes[:, 0])
        xx1 = jnp.maximum(best[1], boxes[:, 1])
        yy2 = jnp.minimum(best[2], boxes[:, 2])
        xx2 = jnp.minimum(best[3], boxes[:, 3])
        inter = jnp.maximum(yy2 - yy1, 0.0) * jnp.maximum(xx2 - xx1, 0.0)
        area_best = (best[2] - best[0]) * (best[3] - best[1])
        iou = inter / (areas + area_best - inter + 1e-8)
        suppress = iou >= NMS_THRESHOLD
        new_scores = jnp.where(suppress, NEG, scores_w)
        out_box = jnp.where(best_score > NEG * 0.5, best, jnp.zeros((4,), boxes.dtype))
        return new_scores, out_box

    _, out_boxes = jax.lax.scan(step, scores, None, length=PROPOSAL_COUNT)
    return out_boxes


def reference(rpn_class, rpn_bbox, anchors):
    scores = rpn_class[:, :, 1]
    deltas = rpn_bbox * jnp.asarray(RPN_BBOX_STD_DEV).reshape(1, 1, 4)
    N = scores.shape[1]
    pre_nms_limit = min(PRE_NMS_LIMIT, N)
    top_scores, ix = jax.lax.top_k(scores, pre_nms_limit)
    window = jnp.array([0.0, 0.0, 1.0, 1.0], dtype=jnp.float32)

    def per_image(sc, ixi, dl, an):
        dl_g = jnp.take(dl, ixi, axis=0)
        an_g = jnp.take(an, ixi, axis=0)
        boxes = apply_box_deltas(an_g, dl_g)
        boxes = clip_boxes(boxes, window)
        return nms_single(boxes, sc)

    proposals = jax.vmap(per_image)(top_scores, ix, deltas, anchors)
    return proposals

if __name__ == "__main__":
    import jax
    _d = setup_inputs()
    print(jax.jit(kernel)(*tuple(_d.values())))

</pallas_src>

<mosaic_0001>
#map = affine_map<(d0, d1) -> (0, 0)>
#map1 = affine_map<(d0, d1) -> (0, 0, 0)>
module attributes {stable_mosaic.version = 14 : i64} {
  func.func @body(%arg0: i32, %arg1: i32, %arg2: memref<40960x16xf32, #tpu.memory_space<hbm>>, %arg3: memref<32x10x128xi32, #tpu.memory_space<hbm>>, %arg4: memref<12608x16xf32, #tpu.memory_space<hbm>>, %arg5: memref<1280x16xf32, #tpu.memory_space<vmem>>, %arg6: memref<10x128xi32, #tpu.memory_space<vmem>>, %arg7: memref<!tpu.dma_semaphore, #tpu.memory_space<semaphore_mem>>) attributes {dimension_semantics = [#tpu.dimension_semantics<core_parallel>, #tpu.dimension_semantics<subcore_parallel>], iteration_bounds = array<i64: 2, 16>, scalar_prefetch = 0 : i64, scratch_operands = 3 : i64, tpu.core_type = #tpu.core_type<sc_vector_subcore>, window_params = [{transform_indices = #map}, {transform_indices = #map1}, {transform_indices = #map}]} {
    %mul3A = arith.constant 2 : i32
    %mul3A_0 = arith.muli %arg1, %mul3A : i32
    %add3A = arith.addi %mul3A_0, %arg0 : i32
    %mul3A_1 = arith.constant 1280 : i32
    %mul3A_2 = arith.muli %add3A, %mul3A_1 : i32
    "tpu.region"() ({
      %run_scoped3A = tpu.sem_alloc : memref<!tpu.dma_semaphore, #tpu.memory_space<semaphore_mem>>
      %dma_start3A_201 = arith.constant 0 : i32
      %dma_start3A_202 = tpu.memref_slice %arg2[%mul3A_2, %dma_start3A_201] : memref<40960x16xf32, #tpu.memory_space<hbm>> -> memref<1280x16xf32, #tpu.memory_space<hbm>>
      %dma_start3A_203 = arith.constant 0 : i32
      %dma_start3A_204 = tpu.memref_slice %arg2[%mul3A_2, %dma_start3A_203] : memref<40960x16xf32, #tpu.memory_space<hbm>> -> memref<1280x16xf32, #tpu.memory_space<hbm>>
      tpu.enqueue_dma source(%dma_start3A_204 : memref<1280x16xf32, #tpu.memory_space<hbm>>) target(%arg5 : memref<1280x16xf32, #tpu.memory_space<vmem>>) target_semaphore(%run_scoped3A : memref<!tpu.dma_semaphore, #tpu.memory_space<semaphore_mem>>)
      %dma_wait3A_205 = arith.constant 0 : i32
      %dma_wait3A_206 = tpu.memref_slice %arg2[%mul3A_2, %dma_wait3A_205] : memref<40960x16xf32, #tpu.memory_space<hbm>> -> memref<1280x16xf32, #tpu.memory_space<hbm>>
      %dma_wait3A_207 = arith.constant 0 : i32
      %dma_wait3A_208 = tpu.memref_slice %arg2[%mul3A_2, %dma_wait3A_207] : memref<40960x16xf32, #tpu.memory_space<hbm>> -> memref<1280x16xf32, #tpu.memory_space<hbm>>
      tpu.wait_dma2 semaphore(%run_scoped3A : memref<!tpu.dma_semaphore, #tpu.memory_space<semaphore_mem>>) src(%dma_wait3A_208 : memref<1280x16xf32, #tpu.memory_space<hbm>>) dst(%arg5 : memref<1280x16xf32, #tpu.memory_space<vmem>>)
      tpu.yield
    }) : () -> ()
    "tpu.region"() ({
      %run_scoped3A = tpu.sem_alloc : memref<!tpu.dma_semaphore, #tpu.memory_space<semaphore_mem>>
      %dma_start3A_201 = arith.constant 0 : i32
      %dma_start3A_202 = arith.constant 0 : i32
      %dma_start3A_203 = tpu.memref_slice %arg3[%add3A, %dma_start3A_201, %dma_start3A_202] : memref<32x10x128xi32, #tpu.memory_space<hbm>> -> memref<1x10x128xi32, #tpu.memory_space<hbm>>
      %dma_start3A_204 = tpu.memref_squeeze %dma_start3A_203 : memref<1x10x128xi32, #tpu.memory_space<hbm>> -> memref<10x128xi32, #tpu.memory_space<hbm>>
      %dma_start3A_205 = arith.constant 0 : i32
      %dma_start3A_206 = arith.constant 0 : i32
      %dma_start3A_207 = tpu.memref_slice %arg3[%add3A, %dma_start3A_205, %dma_start3A_206] : memref<32x10x128xi32, #tpu.memory_space<hbm>> -> memref<1x10x128xi32, #tpu.memory_space<hbm>>
      %dma_start3A_208 = tpu.memref_squeeze %dma_start3A_207 : memref<1x10x128xi32, #tpu.memory_space<hbm>> -> memref<10x128xi32, #tpu.memory_space<hbm>>
      tpu.enqueue_dma source(%dma_start3A_208 : memref<10x128xi32, #tpu.memory_space<hbm>>) target(%arg6 : memref<10x128xi32, #tpu.memory_space<vmem>>) target_semaphore(%run_scoped3A : memref<!tpu.dma_semaphore, #tpu.memory_space<semaphore_mem>>)
      %dma_wait3A_209 = arith.constant 0 : i32
      %dma_wait3A_210 = arith.constant 0 : i32
      %dma_wait3A_211 = tpu.memref_slice %arg3[%add3A, %dma_wait3A_209, %dma_wait3A_210] : memref<32x10x128xi32, #tpu.memory_space<hbm>> -> memref<1x10x128xi32, #tpu.memory_space<hbm>>
      %dma_wait3A_212 = tpu.memref_squeeze %dma_wait3A_211 : memref<1x10x128xi32, #tpu.memory_space<hbm>> -> memref<10x128xi32, #tpu.memory_space<hbm>>
      %dma_wait3A_213 = arith.constant 0 : i32
      %dma_wait3A_214 = arith.constant 0 : i32
      %dma_wait3A_215 = tpu.memref_slice %arg3[%add3A, %dma_wait3A_213, %dma_wait3A_214] : memref<32x10x128xi32, #tpu.memory_space<hbm>> -> memref<1x10x128xi32, #tpu.memory_space<hbm>>
      %dma_wait3A_216 = tpu.memref_squeeze %dma_wait3A_215 : memref<1x10x128xi32, #tpu.memory_space<hbm>> -> memref<10x128xi32, #tpu.memory_space<hbm>>
      tpu.wait_dma2 semaphore(%run_scoped3A : memref<!tpu.dma_semaphore, #tpu.memory_space<semaphore_mem>>) src(%dma_wait3A_216 : memref<10x128xi32, #tpu.memory_space<hbm>>) dst(%arg6 : memref<10x128xi32, #tpu.memory_space<vmem>>)
      tpu.yield
    }) : () -> ()
    %dma_start3A = arith.constant 0 : i32
    %dma_start3A_3 = arith.constant 0 : i32
    %dma_start3A_4 = arith.constant 0 : i32
    %dma_start3A_5 = tpu.memref_slice %arg5[%dma_start3A_3, %dma_start3A_4] : memref<1280x16xf32, #tpu.memory_space<vmem>> -> memref<128x16xf32, #tpu.memory_space<vmem>>
    %dma_start3A_6 = arith.constant 0 : i32
    %dma_start3A_7 = tpu.memref_slice %arg6[%dma_start3A, %dma_start3A_6] : memref<10x128xi32, #tpu.memory_space<vmem>> -> memref<1x128xi32, #tpu.memory_space<vmem>>
    %dma_start3A_8 = tpu.memref_squeeze %dma_start3A_7 : memref<1x128xi32, #tpu.memory_space<vmem>> -> memref<128xi32, #tpu.memory_space<vmem>>
    %dma_start3A_9 = arith.constant 0 : i32
    %dma_start3A_10 = arith.constant 0 : i32
    %dma_start3A_11 = tpu.memref_slice %arg4[%dma_start3A_9, %dma_start3A_10] : memref<12608x16xf32, #tpu.memory_space<hbm>> -> memref<12608x16xf32, #tpu.memory_space<hbm>>
    tpu.enqueue_indirect_dma source(%dma_start3A_5 : memref<128x16xf32, #tpu.memory_space<vmem>>) target(%dma_start3A_11 : memref<12608x16xf32, #tpu.memory_space<hbm>>) offsets(%dma_start3A_8 : memref<128xi32, #tpu.memory_space<vmem>>) semaphore(%arg7 : memref<!tpu.dma_semaphore, #tpu.memory_space<semaphore_mem>>)
    %dma_start3A_12 = arith.constant 1 : i32
    %dma_start3A_13 = arith.constant 128 : i32
    %dma_start3A_14 = arith.constant 0 : i32
    %dma_start3A_15 = tpu.memref_slice %arg5[%dma_start3A_13, %dma_start3A_14] : memref<1280x16xf32, #tpu.memory_space<vmem>> -> memref<128x16xf32, #tpu.memory_space<vmem>>
    %dma_start3A_16 = arith.constant 0 : i32
    %dma_start3A_17 = tpu.memref_slice %arg6[%dma_start3A_12, %dma_start3A_16] : memref<10x128xi32, #tpu.memory_space<vmem>> -> memref<1x128xi32, #tpu.memory_space<vmem>>
    %dma_start3A_18 = tpu.memref_squeeze %dma_start3A_17 : memref<1x128xi32, #tpu.memory_space<vmem>> -> memref<128xi32, #tpu.memory_space<vmem>>
    %dma_start3A_19 = arith.constant 0 : i32
    %dma_start3A_20 = arith.constant 0 : i32
    %dma_start3A_21 = tpu.memref_slice %arg4[%dma_start3A_19, %dma_start3A_20] : memref<12608x16xf32, #tpu.memory_space<hbm>> -> memref<12608x16xf32, #tpu.memory_space<hbm>>
    tpu.enqueue_indirect_dma source(%dma_start3A_15 : memref<128x16xf32, #tpu.memory_space<vmem>>) target(%dma_start3A_21 : memref<12608x16xf32, #tpu.memory_space<hbm>>) offsets(%dma_start3A_18 : memref<128xi32, #tpu.memory_space<vmem>>) semaphore(%arg7 : memref<!tpu.dma_semaphore, #tpu.memory_space<semaphore_mem>>)
    %dma_start3A_22 = arith.constant 2 : i32
    %dma_start3A_23 = arith.constant 256 : i32
    %dma_start3A_24 = arith.constant 0 : i32
    %dma_start3A_25 = tpu.memref_slice %arg5[%dma_start3A_23, %dma_start3A_24] : memref<1280x16xf32, #tpu.memory_space<vmem>> -> memref<128x16xf32, #tpu.memory_space<vmem>>
    %dma_start3A_26 = arith.constant 0 : i32
    %dma_start3A_27 = tpu.memref_slice %arg6[%dma_start3A_22, %dma_start3A_26] : memref<10x128xi32, #tpu.memory_space<vmem>> -> memref<1x128xi32, #tpu.memory_space<vmem>>
    %dma_start3A_28 = tpu.memref_squeeze %dma_start3A_27 : memref<1x128xi32, #tpu.memory_space<vmem>> -> memref<128xi32, #tpu.memory_space<vmem>>
    %dma_start3A_29 = arith.constant 0 : i32
    %dma_start3A_30 = arith.constant 0 : i32
    %dma_start3A_31 = tpu.memref_slice %arg4[%dma_start3A_29, %dma_start3A_30] : memref<12608x16xf32, #tpu.memory_space<hbm>> -> memref<12608x16xf32, #tpu.memory_space<hbm>>
    tpu.enqueue_indirect_dma source(%dma_start3A_25 : memref<128x16xf32, #tpu.memory_space<vmem>>) target(%dma_start3A_31 : memref<12608x16xf32, #tpu.memory_space<hbm>>) offsets(%dma_start3A_28 : memref<128xi32, #tpu.memory_space<vmem>>) semaphore(%arg7 : memref<!tpu.dma_semaphore, #tpu.memory_space<semaphore_mem>>)
    %dma_start3A_32 = arith.constant 3 : i32
    %dma_start3A_33 = arith.constant 384 : i32
    %dma_start3A_34 = arith.constant 0 : i32
    %dma_start3A_35 = tpu.memref_slice %arg5[%dma_start3A_33, %dma_start3A_34] : memref<1280x16xf32, #tpu.memory_space<vmem>> -> memref<128x16xf32, #tpu.memory_space<vmem>>
    %dma_start3A_36 = arith.constant 0 : i32
    %dma_start3A_37 = tpu.memref_slice %arg6[%dma_start3A_32, %dma_start3A_36] : memref<10x128xi32, #tpu.memory_space<vmem>> -> memref<1x128xi32, #tpu.memory_space<vmem>>
    %dma_start3A_38 = tpu.memref_squeeze %dma_start3A_37 : memref<1x128xi32, #tpu.memory_space<vmem>> -> memref<128xi32, #tpu.memory_space<vmem>>
    %dma_start3A_39 = arith.constant 0 : i32
    %dma_start3A_40 = arith.constant 0 : i32
    %dma_start3A_41 = tpu.memref_slice %arg4[%dma_start3A_39, %dma_start3A_40] : memref<12608x16xf32, #tpu.memory_space<hbm>> -> memref<12608x16xf32, #tpu.memory_space<hbm>>
    tpu.enqueue_indirect_dma source(%dma_start3A_35 : memref<128x16xf32, #tpu.memory_space<vmem>>) target(%dma_start3A_41 : memref<12608x16xf32, #tpu.memory_space<hbm>>) offsets(%dma_start3A_38 : memref<128xi32, #tpu.memory_space<vmem>>) semaphore(%arg7 : memref<!tpu.dma_semaphore, #tpu.memory_space<semaphore_mem>>)
    %dma_start3A_42 = arith.constant 4 : i32
    %dma_start3A_43 = arith.constant 512 : i32
    %dma_start3A_44 = arith.constant 0 : i32
    %dma_start3A_45 = tpu.memref_slice %arg5[%dma_start3A_43, %dma_start3A_44] : memref<1280x16xf32, #tpu.memory_space<vmem>> -> memref<128x16xf32, #tpu.memory_space<vmem>>
    %dma_start3A_46 = arith.constant 0 : i32
    %dma_start3A_47 = tpu.memref_slice %arg6[%dma_start3A_42, %dma_start3A_46] : memref<10x128xi32, #tpu.memory_space<vmem>> -> memref<1x128xi32, #tpu.memory_space<vmem>>
    %dma_start3A_48 = tpu.memref_squeeze %dma_start3A_47 : memref<1x128xi32, #tpu.memory_space<vmem>> -> memref<128xi32, #tpu.memory_space<vmem>>
    %dma_start3A_49 = arith.constant 0 : i32
    %dma_start3A_50 = arith.constant 0 : i32
    %dma_start3A_51 = tpu.memref_slice %arg4[%dma_start3A_49, %dma_start3A_50] : memref<12608x16xf32, #tpu.memory_space<hbm>> -> memref<12608x16xf32, #tpu.memory_space<hbm>>
    tpu.enqueue_indirect_dma source(%dma_start3A_45 : memref<128x16xf32, #tpu.memory_space<vmem>>) target(%dma_start3A_51 : memref<12608x16xf32, #tpu.memory_space<hbm>>) offsets(%dma_start3A_48 : memref<128xi32, #tpu.memory_space<vmem>>) semaphore(%arg7 : memref<!tpu.dma_semaphore, #tpu.memory_space<semaphore_mem>>)
    %dma_start3A_52 = arith.constant 5 : i32
    %dma_start3A_53 = arith.constant 640 : i32
    %dma_start3A_54 = arith.constant 0 : i32
    %dma_start3A_55 = tpu.memref_slice %arg5[%dma_start3A_53, %dma_start3A_54] : memref<1280x16xf32, #tpu.memory_space<vmem>> -> memref<128x16xf32, #tpu.memory_space<vmem>>
    %dma_start3A_56 = arith.constant 0 : i32
    %dma_start3A_57 = tpu.memref_slice %arg6[%dma_start3A_52, %dma_start3A_56] : memref<10x128xi32, #tpu.memory_space<vmem>> -> memref<1x128xi32, #tpu.memory_space<vmem>>
    %dma_start3A_58 = tpu.memref_squeeze %dma_start3A_57 : memref<1x128xi32, #tpu.memory_space<vmem>> -> memref<128xi32, #tpu.memory_space<vmem>>
    %dma_start3A_59 = arith.constant 0 : i32
    %dma_start3A_60 = arith.constant 0 : i32
    %dma_start3A_61 = tpu.memref_slice %arg4[%dma_start3A_59, %dma_start3A_60] : memref<12608x16xf32, #tpu.memory_space<hbm>> -> memref<12608x16xf32, #tpu.memory_space<hbm>>
    tpu.enqueue_indirect_dma source(%dma_start3A_55 : memref<128x16xf32, #tpu.memory_space<vmem>>) target(%dma_start3A_61 : memref<12608x16xf32, #tpu.memory_space<hbm>>) offsets(%dma_start3A_58 : memref<128xi32, #tpu.memory_space<vmem>>) semaphore(%arg7 : memref<!tpu.dma_semaphore, #tpu.memory_space<semaphore_mem>>)
    %dma_start3A_62 = arith.constant 6 : i32
    %dma_start3A_63 = arith.constant 768 : i32
    %dma_start3A_64 = arith.constant 0 : i32
    %dma_start3A_65 = tpu.memref_slice %arg5[%dma_start3A_63, %dma_start3A_64] : memref<1280x16xf32, #tpu.memory_space<vmem>> -> memref<128x16xf32, #tpu.memory_space<vmem>>
    %dma_start3A_66 = arith.constant 0 : i32
    %dma_start3A_67 = tpu.memref_slice %arg6[%dma_start3A_62, %dma_start3A_66] : memref<10x128xi32, #tpu.memory_space<vmem>> -> memref<1x128xi32, #tpu.memory_space<vmem>>
    %dma_start3A_68 = tpu.memref_squeeze %dma_start3A_67 : memref<1x128xi32, #tpu.memory_space<vmem>> -> memref<128xi32, #tpu.memory_space<vmem>>
    %dma_start3A_69 = arith.constant 0 : i32
    %dma_start3A_70 = arith.constant 0 : i32
    %dma_start3A_71 = tpu.memref_slice %arg4[%dma_start3A_69, %dma_start3A_70] : memref<12608x16xf32, #tpu.memory_space<hbm>> -> memref<12608x16xf32, #tpu.memory_space<hbm>>
    tpu.enqueue_indirect_dma source(%dma_start3A_65 : memref<128x16xf32, #tpu.memory_space<vmem>>) target(%dma_start3A_71 : memref<12608x16xf32, #tpu.memory_space<hbm>>) offsets(%dma_start3A_68 : memref<128xi32, #tpu.memory_space<vmem>>) semaphore(%arg7 : memref<!tpu.dma_semaphore, #tpu.memory_space<semaphore_mem>>)
    %dma_start3A_72 = arith.constant 7 : i32
    %dma_start3A_73 = arith.constant 896 : i32
    %dma_start3A_74 = arith.constant 0 : i32
    %dma_start3A_75 = tpu.memref_slice %arg5[%dma_start3A_73, %dma_start3A_74] : memref<1280x16xf32, #tpu.memory_space<vmem>> -> memref<128x16xf32, #tpu.memory_space<vmem>>
    %dma_start3A_76 = arith.constant 0 : i32
    %dma_start3A_77 = tpu.memref_slice %arg6[%dma_start3A_72, %dma_start3A_76] : memref<10x128xi32, #tpu.memory_space<vmem>> -> memref<1x128xi32, #tpu.memory_space<vmem>>
    %dma_start3A_78 = tpu.memref_squeeze %dma_start3A_77 : memref<1x128xi32, #tpu.memory_space<vmem>> -> memref<128xi32, #tpu.memory_space<vmem>>
    %dma_start3A_79 = arith.constant 0 : i32
    %dma_start3A_80 = arith.constant 0 : i32
    %dma_start3A_81 = tpu.memref_slice %arg4[%dma_start3A_79, %dma_start3A_80] : memref<12608x16xf32, #tpu.memory_space<hbm>> -> memref<12608x16xf32, #tpu.memory_space<hbm>>
    tpu.enqueue_indirect_dma source(%dma_start3A_75 : memref<128x16xf32, #tpu.memory_space<vmem>>) target(%dma_start3A_81 : memref<12608x16xf32, #tpu.memory_space<hbm>>) offsets(%dma_start3A_78 : memref<128xi32, #tpu.memory_space<vmem>>) semaphore(%arg7 : memref<!tpu.dma_semaphore, #tpu.memory_space<semaphore_mem>>)
    %dma_start3A_82 = arith.constant 8 : i32
    %dma_start3A_83 = arith.constant 1024 : i32
    %dma_start3A_84 = arith.constant 0 : i32
    %dma_start3A_85 = tpu.memref_slice %arg5[%dma_start3A_83, %dma_start3A_84] : memref<1280x16xf32, #tpu.memory_space<vmem>> -> memref<128x16xf32, #tpu.memory_space<vmem>>
    %dma_start3A_86 = arith.constant 0 : i32
    %dma_start3A_87 = tpu.memref_slice %arg6[%dma_start3A_82, %dma_start3A_86] : memref<10x128xi32, #tpu.memory_space<vmem>> -> memref<1x128xi32, #tpu.memory_space<vmem>>
    %dma_start3A_88 = tpu.memref_squeeze %dma_start3A_87 : memref<1x128xi32, #tpu.memory_space<vmem>> -> memref<128xi32, #tpu.memory_space<vmem>>
    %dma_start3A_89 = arith.constant 0 : i32
    %dma_start3A_90 = arith.constant 0 : i32
    %dma_start3A_91 = tpu.memref_slice %arg4[%dma_start3A_89, %dma_start3A_90] : memref<12608x16xf32, #tpu.memory_space<hbm>> -> memref<12608x16xf32, #tpu.memory_space<hbm>>
    tpu.enqueue_indirect_dma source(%dma_start3A_85 : memref<128x16xf32, #tpu.memory_space<vmem>>) target(%dma_start3A_91 : memref<12608x16xf32, #tpu.memory_space<hbm>>) offsets(%dma_start3A_88 : memref<128xi32, #tpu.memory_space<vmem>>) semaphore(%arg7 : memref<!tpu.dma_semaphore, #tpu.memory_space<semaphore_mem>>)
    %dma_start3A_92 = arith.constant 9 : i32
    %dma_start3A_93 = arith.constant 1152 : i32
    %dma_start3A_94 = arith.constant 0 : i32
    %dma_start3A_95 = tpu.memref_slice %arg5[%dma_start3A_93, %dma_start3A_94] : memref<1280x16xf32, #tpu.memory_space<vmem>> -> memref<128x16xf32, #tpu.memory_space<vmem>>
    %dma_start3A_96 = arith.constant 0 : i32
    %dma_start3A_97 = tpu.memref_slice %arg6[%dma_start3A_92, %dma_start3A_96] : memref<10x128xi32, #tpu.memory_space<vmem>> -> memref<1x128xi32, #tpu.memory_space<vmem>>
    %dma_start3A_98 = tpu.memref_squeeze %dma_start3A_97 : memref<1x128xi32, #tpu.memory_space<vmem>> -> memref<128xi32, #tpu.memory_space<vmem>>
    %dma_start3A_99 = arith.constant 0 : i32
    %dma_start3A_100 = arith.constant 0 : i32
    %dma_start3A_101 = tpu.memref_slice %arg4[%dma_start3A_99, %dma_start3A_100] : memref<12608x16xf32, #tpu.memory_space<hbm>> -> memref<12608x16xf32, #tpu.memory_space<hbm>>
    tpu.enqueue_indirect_dma source(%dma_start3A_95 : memref<128x16xf32, #tpu.memory_space<vmem>>) target(%dma_start3A_101 : memref<12608x16xf32, #tpu.memory_space<hbm>>) offsets(%dma_start3A_98 : memref<128xi32, #tpu.memory_space<vmem>>) semaphore(%arg7 : memref<!tpu.dma_semaphore, #tpu.memory_space<semaphore_mem>>)
    %dma_wait3A = arith.constant 0 : i32
    %dma_wait3A_102 = arith.constant 0 : i32
    %dma_wait3A_103 = arith.constant 0 : i32
    %dma_wait3A_104 = tpu.memref_slice %arg5[%dma_wait3A_102, %dma_wait3A_103] : memref<1280x16xf32, #tpu.memory_space<vmem>> -> memref<128x16xf32, #tpu.memory_space<vmem>>
    %dma_wait3A_105 = arith.constant 0 : i32
    %dma_wait3A_106 = tpu.memref_slice %arg6[%dma_wait3A, %dma_wait3A_105] : memref<10x128xi32, #tpu.memory_space<vmem>> -> memref<1x128xi32, #tpu.memory_space<vmem>>
    %dma_wait3A_107 = tpu.memref_squeeze %dma_wait3A_106 : memref<1x128xi32, #tpu.memory_space<vmem>> -> memref<128xi32, #tpu.memory_space<vmem>>
    %dma_wait3A_108 = arith.constant 0 : i32
    %dma_wait3A_109 = arith.constant 0 : i32
    %dma_wait3A_110 = tpu.memref_slice %arg4[%dma_wait3A_108, %dma_wait3A_109] : memref<12608x16xf32, #tpu.memory_space<hbm>> -> memref<12608x16xf32, #tpu.memory_space<hbm>>
    tpu.wait_indirect_dma semaphore(%arg7 : memref<!tpu.dma_semaphore, #tpu.memory_space<semaphore_mem>>) src(%dma_wait3A_104 : memref<128x16xf32, #tpu.memory_space<vmem>>) dst(%dma_wait3A_110 : memref<12608x16xf32, #tpu.memory_space<hbm>>)
    %dma_wait3A_111 = arith.constant 1 : i32
    %dma_wait3A_112 = arith.constant 128 : i32
    %dma_wait3A_113 = arith.constant 0 : i32
    %dma_wait3A_114 = tpu.memref_slice %arg5[%dma_wait3A_112, %dma_wait3A_113] : memref<1280x16xf32, #tpu.memory_space<vmem>> -> memref<128x16xf32, #tpu.memory_space<vmem>>
    %dma_wait3A_115 = arith.constant 0 : i32
    %dma_wait3A_116 = tpu.memref_slice %arg6[%dma_wait3A_111, %dma_wait3A_115] : memref<10x128xi32, #tpu.memory_space<vmem>> -> memref<1x128xi32, #tpu.memory_space<vmem>>
    %dma_wait3A_117 = tpu.memref_squeeze %dma_wait3A_116 : memref<1x128xi32, #tpu.memory_space<vmem>> -> memref<128xi32, #tpu.memory_space<vmem>>
    %dma_wait3A_118 = arith.constant 0 : i32
    %dma_wait3A_119 = arith.constant 0 : i32
    %dma_wait3A_120 = tpu.memref_slice %arg4[%dma_wait3A_118, %dma_wait3A_119] : memref<12608x16xf32, #tpu.memory_space<hbm>> -> memref<12608x16xf32, #tpu.memory_space<hbm>>
    tpu.wait_indirect_dma semaphore(%arg7 : memref<!tpu.dma_semaphore, #tpu.memory_space<semaphore_mem>>) src(%dma_wait3A_114 : memref<128x16xf32, #tpu.memory_space<vmem>>) dst(%dma_wait3A_120 : memref<12608x16xf32, #tpu.memory_space<hbm>>)
    %dma_wait3A_121 = arith.constant 2 : i32
    %dma_wait3A_122 = arith.constant 256 : i32
    %dma_wait3A_123 = arith.constant 0 : i32
    %dma_wait3A_124 = tpu.memref_slice %arg5[%dma_wait3A_122, %dma_wait3A_123] : memref<1280x16xf32, #tpu.memory_space<vmem>> -> memref<128x16xf32, #tpu.memory_space<vmem>>
    %dma_wait3A_125 = arith.constant 0 : i32
    %dma_wait3A_126 = tpu.memref_slice %arg6[%dma_wait3A_121, %dma_wait3A_125] : memref<10x128xi32, #tpu.memory_space<vmem>> -> memref<1x128xi32, #tpu.memory_space<vmem>>
    %dma_wait3A_127 = tpu.memref_squeeze %dma_wait3A_126 : memref<1x128xi32, #tpu.memory_space<vmem>> -> memref<128xi32, #tpu.memory_space<vmem>>
    %dma_wait3A_128 = arith.constant 0 : i32
    %dma_wait3A_129 = arith.constant 0 : i32
    %dma_wait3A_130 = tpu.memref_slice %arg4[%dma_wait3A_128, %dma_wait3A_129] : memref<12608x16xf32, #tpu.memory_space<hbm>> -> memref<12608x16xf32, #tpu.memory_space<hbm>>
    tpu.wait_indirect_dma semaphore(%arg7 : memref<!tpu.dma_semaphore, #tpu.memory_space<semaphore_mem>>) src(%dma_wait3A_124 : memref<128x16xf32, #tpu.memory_space<vmem>>) dst(%dma_wait3A_130 : memref<12608x16xf32, #tpu.memory_space<hbm>>)
    %dma_wait3A_131 = arith.constant 3 : i32
    %dma_wait3A_132 = arith.constant 384 : i32
    %dma_wait3A_133 = arith.constant 0 : i32
    %dma_wait3A_134 = tpu.memref_slice %arg5[%dma_wait3A_132, %dma_wait3A_133] : memref<1280x16xf32, #tpu.memory_space<vmem>> -> memref<128x16xf32, #tpu.memory_space<vmem>>
    %dma_wait3A_135 = arith.constant 0 : i32
    %dma_wait3A_136 = tpu.memref_slice %arg6[%dma_wait3A_131, %dma_wait3A_135] : memref<10x128xi32, #tpu.memory_space<vmem>> -> memref<1x128xi32, #tpu.memory_space<vmem>>
    %dma_wait3A_137 = tpu.memref_squeeze %dma_wait3A_136 : memref<1x128xi32, #tpu.memory_space<vmem>> -> memref<128xi32, #tpu.memory_space<vmem>>
    %dma_wait3A_138 = arith.constant 0 : i32
    %dma_wait3A_139 = arith.constant 0 : i32
    %dma_wait3A_140 = tpu.memref_slice %arg4[%dma_wait3A_138, %dma_wait3A_139] : memref<12608x16xf32, #tpu.memory_space<hbm>> -> memref<12608x16xf32, #tpu.memory_space<hbm>>
    tpu.wait_indirect_dma semaphore(%arg7 : memref<!tpu.dma_semaphore, #tpu.memory_space<semaphore_mem>>) src(%dma_wait3A_134 : memref<128x16xf32, #tpu.memory_space<vmem>>) dst(%dma_wait3A_140 : memref<12608x16xf32, #tpu.memory_space<hbm>>)
    %dma_wait3A_141 = arith.constant 4 : i32
    %dma_wait3A_142 = arith.constant 512 : i32
    %dma_wait3A_143 = arith.constant 0 : i32
    %dma_wait3A_144 = tpu.memref_slice %arg5[%dma_wait3A_142, %dma_wait3A_143] : memref<1280x16xf32, #tpu.memory_space<vmem>> -> memref<128x16xf32, #tpu.memory_space<vmem>>
    %dma_wait3A_145 = arith.constant 0 : i32
    %dma_wait3A_146 = tpu.memref_slice %arg6[%dma_wait3A_141, %dma_wait3A_145] : memref<10x128xi32, #tpu.memory_space<vmem>> -> memref<1x128xi32, #tpu.memory_space<vmem>>
    %dma_wait3A_147 = tpu.memref_squeeze %dma_wait3A_146 : memref<1x128xi32, #tpu.memory_space<vmem>> -> memref<128xi32, #tpu.memory_space<vmem>>
    %dma_wait3A_148 = arith.constant 0 : i32
    %dma_wait3A_149 = arith.constant 0 : i32
    %dma_wait3A_150 = tpu.memref_slice %arg4[%dma_wait3A_148, %dma_wait3A_149] : memref<12608x16xf32, #tpu.memory_space<hbm>> -> memref<12608x16xf32, #tpu.memory_space<hbm>>
    tpu.wait_indirect_dma semaphore(%arg7 : memref<!tpu.dma_semaphore, #tpu.memory_space<semaphore_mem>>) src(%dma_wait3A_144 : memref<128x16xf32, #tpu.memory_space<vmem>>) dst(%dma_wait3A_150 : memref<12608x16xf32, #tpu.memory_space<hbm>>)
    %dma_wait3A_151 = arith.constant 5 : i32
    %dma_wait3A_152 = arith.constant 640 : i32
    %dma_wait3A_153 = arith.constant 0 : i32
    %dma_wait3A_154 = tpu.memref_slice %arg5[%dma_wait3A_152, %dma_wait3A_153] : memref<1280x16xf32, #tpu.memory_space<vmem>> -> memref<128x16xf32, #tpu.memory_space<vmem>>
    %dma_wait3A_155 = arith.constant 0 : i32
    %dma_wait3A_156 = tpu.memref_slice %arg6[%dma_wait3A_151, %dma_wait3A_155] : memref<10x128xi32, #tpu.memory_space<vmem>> -> memref<1x128xi32, #tpu.memory_space<vmem>>
    %dma_wait3A_157 = tpu.memref_squeeze %dma_wait3A_156 : memref<1x128xi32, #tpu.memory_space<vmem>> -> memref<128xi32, #tpu.memory_space<vmem>>
    %dma_wait3A_158 = arith.constant 0 : i32
    %dma_wait3A_159 = arith.constant 0 : i32
    %dma_wait3A_160 = tpu.memref_slice %arg4[%dma_wait3A_158, %dma_wait3A_159] : memref<12608x16xf32, #tpu.memory_space<hbm>> -> memref<12608x16xf32, #tpu.memory_space<hbm>>
    tpu.wait_indirect_dma semaphore(%arg7 : memref<!tpu.dma_semaphore, #tpu.memory_space<semaphore_mem>>) src(%dma_wait3A_154 : memref<128x16xf32, #tpu.memory_space<vmem>>) dst(%dma_wait3A_160 : memref<12608x16xf32, #tpu.memory_space<hbm>>)
    %dma_wait3A_161 = arith.constant 6 : i32
    %dma_wait3A_162 = arith.constant 768 : i32
    %dma_wait3A_163 = arith.constant 0 : i32
    %dma_wait3A_164 = tpu.memref_slice %arg5[%dma_wait3A_162, %dma_wait3A_163] : memref<1280x16xf32, #tpu.memory_space<vmem>> -> memref<128x16xf32, #tpu.memory_space<vmem>>
    %dma_wait3A_165 = arith.constant 0 : i32
    %dma_wait3A_166 = tpu.memref_slice %arg6[%dma_wait3A_161, %dma_wait3A_165] : memref<10x128xi32, #tpu.memory_space<vmem>> -> memref<1x128xi32, #tpu.memory_space<vmem>>
    %dma_wait3A_167 = tpu.memref_squeeze %dma_wait3A_166 : memref<1x128xi32, #tpu.memory_space<vmem>> -> memref<128xi32, #tpu.memory_space<vmem>>
    %dma_wait3A_168 = arith.constant 0 : i32
    %dma_wait3A_169 = arith.constant 0 : i32
    %dma_wait3A_170 = tpu.memref_slice %arg4[%dma_wait3A_168, %dma_wait3A_169] : memref<12608x16xf32, #tpu.memory_space<hbm>> -> memref<12608x16xf32, #tpu.memory_space<hbm>>
    tpu.wait_indirect_dma semaphore(%arg7 : memref<!tpu.dma_semaphore, #tpu.memory_space<semaphore_mem>>) src(%dma_wait3A_164 : memref<128x16xf32, #tpu.memory_space<vmem>>) dst(%dma_wait3A_170 : memref<12608x16xf32, #tpu.memory_space<hbm>>)
    %dma_wait3A_171 = arith.constant 7 : i32
    %dma_wait3A_172 = arith.constant 896 : i32
    %dma_wait3A_173 = arith.constant 0 : i32
    %dma_wait3A_174 = tpu.memref_slice %arg5[%dma_wait3A_172, %dma_wait3A_173] : memref<1280x16xf32, #tpu.memory_space<vmem>> -> memref<128x16xf32, #tpu.memory_space<vmem>>
    %dma_wait3A_175 = arith.constant 0 : i32
    %dma_wait3A_176 = tpu.memref_slice %arg6[%dma_wait3A_171, %dma_wait3A_175] : memref<10x128xi32, #tpu.memory_space<vmem>> -> memref<1x128xi32, #tpu.memory_space<vmem>>
    %dma_wait3A_177 = tpu.memref_squeeze %dma_wait3A_176 : memref<1x128xi32, #tpu.memory_space<vmem>> -> memref<128xi32, #tpu.memory_space<vmem>>
    %dma_wait3A_178 = arith.constant 0 : i32
    %dma_wait3A_179 = arith.constant 0 : i32
    %dma_wait3A_180 = tpu.memref_slice %arg4[%dma_wait3A_178, %dma_wait3A_179] : memref<12608x16xf32, #tpu.memory_space<hbm>> -> memref<12608x16xf32, #tpu.memory_space<hbm>>
    tpu.wait_indirect_dma semaphore(%arg7 : memref<!tpu.dma_semaphore, #tpu.memory_space<semaphore_mem>>) src(%dma_wait3A_174 : memref<128x16xf32, #tpu.memory_space<vmem>>) dst(%dma_wait3A_180 : memref<12608x16xf32, #tpu.memory_space<hbm>>)
    %dma_wait3A_181 = arith.constant 8 : i32
    %dma_wait3A_182 = arith.constant 1024 : i32
    %dma_wait3A_183 = arith.constant 0 : i32
    %dma_wait3A_184 = tpu.memref_slice %arg5[%dma_wait3A_182, %dma_wait3A_183] : memref<1280x16xf32, #tpu.memory_space<vmem>> -> memref<128x16xf32, #tpu.memory_space<vmem>>
    %dma_wait3A_185 = arith.constant 0 : i32
    %dma_wait3A_186 = tpu.memref_slice %arg6[%dma_wait3A_181, %dma_wait3A_185] : memref<10x128xi32, #tpu.memory_space<vmem>> -> memref<1x128xi32, #tpu.memory_space<vmem>>
    %dma_wait3A_187 = tpu.memref_squeeze %dma_wait3A_186 : memref<1x128xi32, #tpu.memory_space<vmem>> -> memref<128xi32, #tpu.memory_space<vmem>>
    %dma_wait3A_188 = arith.constant 0 : i32
    %dma_wait3A_189 = arith.constant 0 : i32
    %dma_wait3A_190 = tpu.memref_slice %arg4[%dma_wait3A_188, %dma_wait3A_189] : memref<12608x16xf32, #tpu.memory_space<hbm>> -> memref<12608x16xf32, #tpu.memory_space<hbm>>
    tpu.wait_indirect_dma semaphore(%arg7 : memref<!tpu.dma_semaphore, #tpu.memory_space<semaphore_mem>>) src(%dma_wait3A_184 : memref<128x16xf32, #tpu.memory_space<vmem>>) dst(%dma_wait3A_190 : memref<12608x16xf32, #tpu.memory_space<hbm>>)
    %dma_wait3A_191 = arith.constant 9 : i32
    %dma_wait3A_192 = arith.constant 1152 : i32
    %dma_wait3A_193 = arith.constant 0 : i32
    %dma_wait3A_194 = tpu.memref_slice %arg5[%dma_wait3A_192, %dma_wait3A_193] : memref<1280x16xf32, #tpu.memory_space<vmem>> -> memref<128x16xf32, #tpu.memory_space<vmem>>
    %dma_wait3A_195 = arith.constant 0 : i32
    %dma_wait3A_196 = tpu.memref_slice %arg6[%dma_wait3A_191, %dma_wait3A_195] : memref<10x128xi32, #tpu.memory_space<vmem>> -> memref<1x128xi32, #tpu.memory_space<vmem>>
    %dma_wait3A_197 = tpu.memref_squeeze %dma_wait3A_196 : memref<1x128xi32, #tpu.memory_space<vmem>> -> memref<128xi32, #tpu.memory_space<vmem>>
    %dma_wait3A_198 = arith.constant 0 : i32
    %dma_wait3A_199 = arith.constant 0 : i32
    %dma_wait3A_200 = tpu.memref_slice %arg4[%dma_wait3A_198, %dma_wait3A_199] : memref<12608x16xf32, #tpu.memory_space<hbm>> -> memref<12608x16xf32, #tpu.memory_space<hbm>>
    tpu.wait_indirect_dma semaphore(%arg7 : memref<!tpu.dma_semaphore, #tpu.memory_space<semaphore_mem>>) src(%dma_wait3A_194 : memref<128x16xf32, #tpu.memory_space<vmem>>) dst(%dma_wait3A_200 : memref<12608x16xf32, #tpu.memory_space<hbm>>)
    return
  }
}

module attributes {stable_mosaic.version = 14 : i64} {
  func.func @_select_body(%arg0: memref<2x160x128xf32, #tpu.memory_space<vmem>>, %arg1: memref<2x160x128xf32, #tpu.memory_space<vmem>>, %arg2: memref<2x160x128xi32, #tpu.memory_space<vmem>>) attributes {dimension_semantics = [], scalar_prefetch = 0 : i64, scratch_operands = 0 : i64, tpu.core_type = #tpu.core_type<tc>} {
    %iota3A = tpu.iota {dimensions = array<i32: 0>} : vector<160x128xi32>
    %mul3A = arith.constant 128 : i32
    %mul3A_0 = vector.broadcast %mul3A : i32 to vector<160x128xi32>
    %mul3A_1 = arith.muli %iota3A, %mul3A_0 : vector<160x128xi32>
    %iota3A_2 = tpu.iota {dimensions = array<i32: 1>} : vector<160x128xi32>
    %add3A = arith.addi %mul3A_1, %iota3A_2 : vector<160x128xi32>
    %iota3A_3 = tpu.iota {dimensions = array<i32: 0>} : vector<160x128xi32>
    %iota3A_4 = tpu.iota {dimensions = array<i32: 0>} : vector<128x128xi32>
    %iota3A_5 = tpu.iota {dimensions = array<i32: 1>} : vector<128x128xi32>
    %le3A = arith.cmpi sle, %iota3A_4, %iota3A_5 : vector<128x128xi32>
    %convert_element_type3A = arith.extui %le3A : vector<128x128xi1> to vector<128x128xi32>
    %convert_element_type3A_6 = arith.sitofp %convert_element_type3A : vector<128x128xi32> to vector<128x128xf32>
    %iota3A_7 = tpu.iota {dimensions = array<i32: 0>} : vector<160x160xi32>
    %iota3A_8 = tpu.iota {dimensions = array<i32: 1>} : vector<160x160xi32>
    %gt3A = arith.cmpi sgt, %iota3A_7, %iota3A_8 : vector<160x160xi32>
    %convert_element_type3A_9 = arith.extui %gt3A : vector<160x160xi1> to vector<160x160xi32>
    %convert_element_type3A_10 = arith.sitofp %convert_element_type3A_9 : vector<160x160xi32> to vector<160x160xf32>
    %get3A = arith.constant 0 : index
    %get3A_11 = arith.constant 0 : index
    %get3A_12 = arith.constant 0 : index
    %get3A_13 = vector.load %arg0[%get3A, %get3A_11, %get3A_12] : memref<2x160x128xf32, #tpu.memory_space<vmem>>, vector<1x160x128xf32>
    %get3A_14 = vector.shape_cast %get3A_13 : vector<1x160x128xf32> to vector<160x128xf32>
    %bitcast_convert_type3A = tpu.bitcast %get3A_14 : vector<160x128xf32> -> vector<160x128xi32>
    %scan3A = arith.constant 6000 : i32
    %scan3A_15 = arith.constant 0 : i32
    %scan3A_16 = arith.constant 1065353216 : i32
    %scan3A_17 = arith.constant 0 : i32
    %scan3A_18 = arith.constant 31 : i32
    %scan3A_19 = arith.addi %scan3A_17, %scan3A_18 : i32
    %scan3A_20 = arith.constant 1 : i32
    %scan3A_21:2 = scf.for %scan3A_148 = %scan3A_17 to %scan3A_19 step %scan3A_20 iter_args(%scan3A_149 = %scan3A_15, %scan3A_150 = %scan3A_16) -> (i32, i32)  : i32 {
      %add3A_151 = arith.addi %scan3A_149, %scan3A_150 : i32
      %shift_right_arithmetic3A = arith.constant 1 : i32
      %shift_right_arithmetic3A_152 = arith.shrsi %add3A_151, %shift_right_arithmetic3A : i32
      %ge3A = vector.broadcast %shift_right_arithmetic3A_152 : i32 to vector<160x128xi32>
      %ge3A_153 = arith.cmpi sge, %bitcast_convert_type3A, %ge3A : vector<160x128xi32>
      %jit3A_154 = arith.constant 1 : i32
      %jit3A_155 = arith.constant 0 : i32
      %broadcast_in_dim3A_156 = vector.broadcast %jit3A_154 : i32 to vector<160x128xi32>
      %broadcast_in_dim3A_157 = vector.broadcast %jit3A_155 : i32 to vector<160x128xi32>
      %select_n3A_158 = arith.select %ge3A_153, %broadcast_in_dim3A_156, %broadcast_in_dim3A_157 : vector<160x128xi1>, vector<160x128xi32>
      %reduce_sum3A_159 = vector.shape_cast %select_n3A_158 : vector<160x128xi32> to vector<1x160x128xi32>
      %reduce_sum3A_160 = arith.constant dense<0> : vector<1xi32>
      %reduce_sum3A_161 = vector.multi_reduction <add>, %reduce_sum3A_159, %reduce_sum3A_160 [1, 2] : vector<1x160x128xi32> to vector<1xi32>
      %reduce_sum3A_162 = vector.shape_cast %reduce_sum3A_161 : vector<1xi32> to vector<1x1x1xi32>
      %reduce_sum3A_163 = vector.extract %reduce_sum3A_162[0, 0, 0] : i32 from vector<1x1x1xi32>
      %ge3A_164 = arith.cmpi sge, %reduce_sum3A_163, %scan3A : i32
      %select_n3A_165 = arith.select %ge3A_164, %shift_right_arithmetic3A_152, %scan3A_149 : i32
      %select_n3A_166 = arith.select %ge3A_164, %scan3A_150, %shift_right_arithmetic3A_152 : i32
      scf.yield %select_n3A_165, %select_n3A_166 : i32, i32
    }
    %gt3A_22 = vector.broadcast %scan3A_21#0 : i32 to vector<160x128xi32>
    %gt3A_23 = arith.cmpi sgt, %bitcast_convert_type3A, %gt3A_22 : vector<160x128xi32>
    %jit3A = arith.constant 1 : i32
    %jit3A_24 = arith.constant 0 : i32
    %broadcast_in_dim3A = vector.broadcast %jit3A : i32 to vector<160x128xi32>
    %broadcast_in_dim3A_25 = vector.broadcast %jit3A_24 : i32 to vector<160x128xi32>
    %select_n3A = arith.select %gt3A_23, %broadcast_in_dim3A, %broadcast_in_dim3A_25 : vector<160x128xi1>, vector<160x128xi32>
    %reduce_sum3A = vector.shape_cast %select_n3A : vector<160x128xi32> to vector<1x160x128xi32>
    %reduce_sum3A_26 = arith.constant dense<0> : vector<1xi32>
    %reduce_sum3A_27 = vector.multi_reduction <add>, %reduce_sum3A, %reduce_sum3A_26 [1, 2] : vector<1x160x128xi32> to vector<1xi32>
    %reduce_sum3A_28 = vector.shape_cast %reduce_sum3A_27 : vector<1xi32> to vector<1x1x1xi32>
    %reduce_sum3A_29 = vector.extract %reduce_sum3A_28[0, 0, 0] : i32 from vector<1x1x1xi32>
    %sub3A = arith.constant 6000 : i32
    %sub3A_30 = arith.subi %sub3A, %reduce_sum3A_29 : i32
    %eq3A = vector.broadcast %scan3A_21#0 : i32 to vector<160x128xi32>
    %eq3A_31 = arith.cmpi eq, %bitcast_convert_type3A, %eq3A : vector<160x128xi32>
    %scan3A_32 = arith.constant 0 : i32
    %scan3A_33 = arith.constant 20480 : i32
    %scan3A_34 = arith.constant 0 : i32
    %scan3A_35 = arith.constant 15 : i32
    %scan3A_36 = arith.addi %scan3A_34, %scan3A_35 : i32
    %scan3A_37 = arith.constant 1 : i32
    %scan3A_38:2 = scf.for %scan3A_148 = %scan3A_34 to %scan3A_36 step %scan3A_37 iter_args(%scan3A_149 = %scan3A_32, %scan3A_150 = %scan3A_33) -> (i32, i32)  : i32 {
      %add3A_151 = arith.addi %scan3A_149, %scan3A_150 : i32
      %shift_right_arithmetic3A = arith.constant 1 : i32
      %shift_right_arithmetic3A_152 = arith.shrsi %add3A_151, %shift_right_arithmetic3A : i32
      %lt3A_153 = vector.broadcast %shift_right_arithmetic3A_152 : i32 to vector<160x128xi32>
      %lt3A_154 = arith.cmpi slt, %add3A, %lt3A_153 : vector<160x128xi32>
      %and3A_155 = arith.andi %eq3A_31, %lt3A_154 : vector<160x128xi1>
      %jit3A_156 = arith.constant 1 : i32
      %jit3A_157 = arith.constant 0 : i32
      %broadcast_in_dim3A_158 = vector.broadcast %jit3A_156 : i32 to vector<160x128xi32>
      %broadcast_in_dim3A_159 = vector.broadcast %jit3A_157 : i32 to vector<160x128xi32>
      %select_n3A_160 = arith.select %and3A_155, %broadcast_in_dim3A_158, %broadcast_in_dim3A_159 : vector<160x128xi1>, vector<160x128xi32>
      %reduce_sum3A_161 = vector.shape_cast %select_n3A_160 : vector<160x128xi32> to vector<1x160x128xi32>
      %reduce_sum3A_162 = arith.constant dense<0> : vector<1xi32>
      %reduce_sum3A_163 = vector.multi_reduction <add>, %reduce_sum3A_161, %reduce_sum3A_162 [1, 2] : vector<1x160x128xi32> to vector<1xi32>
      %reduce_sum3A_164 = vector.shape_cast %reduce_sum3A_163 : vector<1xi32> to vector<1x1x1xi32>
      %reduce_sum3A_165 = vector.extract %reduce_sum3A_164[0, 0, 0] : i32 from vector<1x1x1xi32>
      %ge3A = arith.cmpi sge, %reduce_sum3A_165, %sub3A_30 : i32
      %select_n3A_166 = arith.select %ge3A, %scan3A_149, %shift_right_arithmetic3A_152 : i32
      %select_n3A_167 = arith.select %ge3A, %shift_right_arithmetic3A_152, %scan3A_150 : i32
      scf.yield %select_n3A_166, %select_n3A_167 : i32, i32
    }
    %gt3A_39 = vector.broadcast %scan3A_21#0 : i32 to vector<160x128xi32>
    %gt3A_40 = arith.cmpi sgt, %bitcast_convert_type3A, %gt3A_39 : vector<160x128xi32>
    %lt3A = vector.broadcast %scan3A_38#1 : i32 to vector<160x128xi32>
    %lt3A_41 = arith.cmpi slt, %add3A, %lt3A : vector<160x128xi32>
    %and3A = arith.andi %eq3A_31, %lt3A_41 : vector<160x128xi1>
    %or3A = arith.ori %gt3A_40, %and3A : vector<160x128xi1>
    %jit3A_42 = arith.constant -1.000000e+09 : f32
    %broadcast_in_dim3A_43 = vector.broadcast %jit3A_42 : f32 to vector<160x128xf32>
    %select_n3A_44 = arith.select %or3A, %get3A_14, %broadcast_in_dim3A_43 : vector<160x128xi1>, vector<160x128xf32>
    %swap3A = arith.constant 0 : index
    %swap3A_45 = arith.constant 0 : index
    %swap3A_46 = arith.constant 0 : index
    %swap3A_47 = vector.load %arg1[%swap3A, %swap3A_45, %swap3A_46] : memref<2x160x128xf32, #tpu.memory_space<vmem>>, vector<1x160x128xf32>
    %swap3A_48 = vector.shape_cast %swap3A_47 : vector<1x160x128xf32> to vector<160x128xf32>
    %swap3A_49 = vector.shape_cast %select_n3A_44 : vector<160x128xf32> to vector<1x160x128xf32>
    tpu.vector_store %arg1[%swap3A, %swap3A_45, %swap3A_46], %swap3A_49 {strides = array<i32>} : memref<2x160x128xf32, #tpu.memory_space<vmem>>, vector<1x160x128xf32>,
    %convert_element_type3A_50 = arith.extui %or3A : vector<160x128xi1> to vector<160x128xi32>
    %convert_element_type3A_51 = arith.sitofp %convert_element_type3A_50 : vector<160x128xi32> to vector<160x128xf32>
    %dot_general3A = arith.constant dense<0.000000e+00> : vector<160x128xf32>
    %dot_general3A_52 = tpu.matmul %convert_element_type3A_51, %convert_element_type3A_6, %dot_general3A {dimension_numbers = #tpu.dot_dimension_numbers<[1], [0], [0], [1], [0, 0, 1, 1], [], []>, transpose_lhs_hint = false} : vector<160x128xf32>, vector<128x128xf32>, vector<160x128xf32> -> vector<160x128xf32>
    %slice3A = vector.extract_strided_slice %dot_general3A_52 {offsets = [0, 127], sizes = [160, 1], strides = [1, 1]} : vector<160x128xf32> to vector<160x1xf32>
    %dot_general3A_53 = arith.constant dense<0.000000e+00> : vector<160x1xf32>
    %dot_general3A_54 = tpu.matmul %convert_element_type3A_10, %slice3A, %dot_general3A_53 {dimension_numbers = #tpu.dot_dimension_numbers<[1], [0], [0], [1], [0, 0, 1, 1], [], []>, transpose_lhs_hint = false} : vector<160x160xf32>, vector<160x1xf32>, vector<160x1xf32> -> vector<160x1xf32>
    %sub3A_55 = arith.subf %dot_general3A_52, %convert_element_type3A_51 : vector<160x128xf32>
    %add3A_56 = vector.broadcast %dot_general3A_54 : vector<160x1xf32> to vector<160x128xf32>
    %add3A_57 = arith.addf %sub3A_55, %add3A_56 : vector<160x128xf32>
    %convert_element_type3A_58 = arith.fptosi %add3A_57 : vector<160x128xf32> to vector<160x128xi32>
    %add3A_59 = arith.constant 0 : i32
    %add3A_60 = vector.broadcast %add3A_59 : i32 to vector<160x128xi32>
    %add3A_61 = arith.addi %add3A_60, %convert_element_type3A_58 : vector<160x128xi32>
    %add3A_62 = arith.constant 12288 : i32
    %add3A_63 = vector.broadcast %add3A_62 : i32 to vector<160x128xi32>
    %add3A_64 = arith.addi %add3A_63, %iota3A_3 : vector<160x128xi32>
    %select_n3A_65 = arith.select %or3A, %add3A_61, %add3A_64 : vector<160x128xi1>, vector<160x128xi32>
    %swap3A_66 = arith.constant 0 : index
    %swap3A_67 = arith.constant 0 : index
    %swap3A_68 = arith.constant 0 : index
    %swap3A_69 = vector.load %arg2[%swap3A_66, %swap3A_67, %swap3A_68] : memref<2x160x128xi32, #tpu.memory_space<vmem>>, vector<1x160x128xi32>
    %swap3A_70 = vector.shape_cast %swap3A_69 : vector<1x160x128xi32> to vector<160x128xi32>
    %swap3A_71 = vector.shape_cast %select_n3A_65 : vector<160x128xi32> to vector<1x160x128xi32>
    tpu.vector_store %arg2[%swap3A_66, %swap3A_67, %swap3A_68], %swap3A_71 {strides = array<i32>} : memref<2x160x128xi32, #tpu.memory_space<vmem>>, vector<1x160x128xi32>,
    %get3A_72 = arith.constant 1 : index
    %get3A_73 = arith.constant 0 : index
    %get3A_74 = arith.constant 0 : index
    %get3A_75 = vector.load %arg0[%get3A_72, %get3A_73, %get3A_74] : memref<2x160x128xf32, #tpu.memory_space<vmem>>, vector<1x160x128xf32>
    %get3A_76 = vector.shape_cast %get3A_75 : vector<1x160x128xf32> to vector<160x128xf32>
    %bitcast_convert_type3A_77 = tpu.bitcast %get3A_76 : vector<160x128xf32> -> vector<160x128xi32>
    %scan3A_78 = arith.constant 6000 : i32
    %scan3A_79 = arith.constant 0 : i32
    %scan3A_80 = arith.constant 1065353216 : i32
    %scan3A_81 = arith.constant 0 : i32
    %scan3A_82 = arith.constant 31 : i32
    %scan3A_83 = arith.addi %scan3A_81, %scan3A_82 : i32
    %scan3A_84 = arith.constant 1 : i32
    %scan3A_85:2 = scf.for %scan3A_148 = %scan3A_81 to %scan3A_83 step %scan3A_84 iter_args(%scan3A_149 = %scan3A_79, %scan3A_150 = %scan3A_80) -> (i32, i32)  : i32 {
      %add3A_151 = arith.addi %scan3A_149, %scan3A_150 : i32
      %shift_right_arithmetic3A = arith.constant 1 : i32
      %shift_right_arithmetic3A_152 = arith.shrsi %add3A_151, %shift_right_arithmetic3A : i32
      %ge3A = vector.broadcast %shift_right_arithmetic3A_152 : i32 to vector<160x128xi32>
      %ge3A_153 = arith.cmpi sge, %bitcast_convert_type3A_77, %ge3A : vector<160x128xi32>
      %jit3A_154 = arith.constant 1 : i32
      %jit3A_155 = arith.constant 0 : i32
      %broadcast_in_dim3A_156 = vector.broadcast %jit3A_154 : i32 to vector<160x128xi32>
      %broadcast_in_dim3A_157 = vector.broadcast %jit3A_155 : i32 to vector<160x128xi32>
      %select_n3A_158 = arith.select %ge3A_153, %broadcast_in_dim3A_156, %broadcast_in_dim3A_157 : vector<160x128xi1>, vector<160x128xi32>
      %reduce_sum3A_159 = vector.shape_cast %select_n3A_158 : vector<160x128xi32> to vector<1x160x128xi32>
      %reduce_sum3A_160 = arith.constant dense<0> : vector<1xi32>
      %reduce_sum3A_161 = vector.multi_reduction <add>, %reduce_sum3A_159, %reduce_sum3A_160 [1, 2] : vector<1x160x128xi32> to vector<1xi32>
      %reduce_sum3A_162 = vector.shape_cast %reduce_sum3A_161 : vector<1xi32> to vector<1x1x1xi32>
      %reduce_sum3A_163 = vector.extract %reduce_sum3A_162[0, 0, 0] : i32 from vector<1x1x1xi32>
      %ge3A_164 = arith.cmpi sge, %reduce_sum3A_163, %scan3A_78 : i32
      %select_n3A_165 = arith.select %ge3A_164, %shift_right_arithmetic3A_152, %scan3A_149 : i32
      %select_n3A_166 = arith.select %ge3A_164, %scan3A_150, %shift_right_arithmetic3A_152 : i32
      scf.yield %select_n3A_165, %select_n3A_166 : i32, i32
    }
    %gt3A_86 = vector.broadcast %scan3A_85#0 : i32 to vector<160x128xi32>
    %gt3A_87 = arith.cmpi sgt, %bitcast_convert_type3A_77, %gt3A_86 : vector<160x128xi32>
    %jit3A_88 = arith.constant 1 : i32
    %jit3A_89 = arith.constant 0 : i32
    %broadcast_in_dim3A_90 = vector.broadcast %jit3A_88 : i32 to vector<160x128xi32>
    %broadcast_in_dim3A_91 = vector.broadcast %jit3A_89 : i32 to vector<160x128xi32>
    %select_n3A_92 = arith.select %gt3A_87, %broadcast_in_dim3A_90, %broadcast_in_dim3A_91 : vector<160x128xi1>, vector<160x128xi32>
    %reduce_sum3A_93 = vector.shape_cast %select_n3A_92 : vector<160x128xi32> to vector<1x160x128xi32>
    %reduce_sum3A_94 = arith.constant dense<0> : vector<1xi32>
    %reduce_sum3A_95 = vector.multi_reduction <add>, %reduce_sum3A_93, %reduce_sum3A_94 [1, 2] : vector<1x160x128xi32> to vector<1xi32>
    %reduce_sum3A_96 = vector.shape_cast %reduce_sum3A_95 : vector<1xi32> to vector<1x1x1xi32>
    %reduce_sum3A_97 = vector.extract %reduce_sum3A_96[0, 0, 0] : i32 from vector<1x1x1xi32>
    %sub3A_98 = arith.constant 6000 : i32
    %sub3A_99 = arith.subi %sub3A_98, %reduce_sum3A_97 : i32
    %eq3A_100 = vector.broadcast %scan3A_85#0 : i32 to vector<160x128xi32>
    %eq3A_101 = arith.cmpi eq, %bitcast_convert_type3A_77, %eq3A_100 : vector<160x128xi32>
    %scan3A_102 = arith.constant 0 : i32
    %scan3A_103 = arith.constant 20480 : i32
    %scan3A_104 = arith.constant 0 : i32
    %scan3A_105 = arith.constant 15 : i32
    %scan3A_106 = arith.addi %scan3A_104, %scan3A_105 : i32
    %scan3A_107 = arith.constant 1 : i32
    %scan3A_108:2 = scf.for %scan3A_148 = %scan3A_104 to %scan3A_106 step %scan3A_107 iter_args(%scan3A_149 = %scan3A_102, %scan3A_150 = %scan3A_103) -> (i32, i32)  : i32 {
      %add3A_151 = arith.addi %scan3A_149, %scan3A_150 : i32
      %shift_right_arithmetic3A = arith.constant 1 : i32
      %shift_right_arithmetic3A_152 = arith.shrsi %add3A_151, %shift_right_arithmetic3A : i32
      %lt3A_153 = vector.broadcast %shift_right_arithmetic3A_152 : i32 to vector<160x128xi32>
      %lt3A_154 = arith.cmpi slt, %add3A, %lt3A_153 : vector<160x128xi32>
      %and3A_155 = arith.andi %eq3A_101, %lt3A_154 : vector<160x128xi1>
      %jit3A_156 = arith.constant 1 : i32
      %jit3A_157 = arith.constant 0 : i32
      %broadcast_in_dim3A_158 = vector.broadcast %jit3A_156 : i32 to vector<160x128xi32>
      %broadcast_in_dim3A_159 = vector.broadcast %jit3A_157 : i32 to vector<160x128xi32>
      %select_n3A_160 = arith.select %and3A_155, %broadcast_in_dim3A_158, %broadcast_in_dim3A_159 : vector<160x128xi1>, vector<160x128xi32>
      %reduce_sum3A_161 = vector.shape_cast %select_n3A_160 : vector<160x128xi32> to vector<1x160x128xi32>
      %reduce_sum3A_162 = arith.constant dense<0> : vector<1xi32>
      %reduce_sum3A_163 = vector.multi_reduction <add>, %reduce_sum3A_161, %reduce_sum3A_162 [1, 2] : vector<1x160x128xi32> to vector<1xi32>
      %reduce_sum3A_164 = vector.shape_cast %reduce_sum3A_163 : vector<1xi32> to vector<1x1x1xi32>
      %reduce_sum3A_165 = vector.extract %reduce_sum3A_164[0, 0, 0] : i32 from vector<1x1x1xi32>
      %ge3A = arith.cmpi sge, %reduce_sum3A_165, %sub3A_99 : i32
      %select_n3A_166 = arith.select %ge3A, %scan3A_149, %shift_right_arithmetic3A_152 : i32
      %select_n3A_167 = arith.select %ge3A, %shift_right_arithmetic3A_152, %scan3A_150 : i32
      scf.yield %select_n3A_166, %select_n3A_167 : i32, i32
    }
    %gt3A_109 = vector.broadcast %scan3A_85#0 : i32 to vector<160x128xi32>
    %gt3A_110 = arith.cmpi sgt, %bitcast_convert_type3A_77, %gt3A_109 : vector<160x128xi32>
    %lt3A_111 = vector.broadcast %scan3A_108#1 : i32 to vector<160x128xi32>
    %lt3A_112 = arith.cmpi slt, %add3A, %lt3A_111 : vector<160x128xi32>
    %and3A_113 = arith.andi %eq3A_101, %lt3A_112 : vector<160x128xi1>
    %or3A_114 = arith.ori %gt3A_110, %and3A_113 : vector<160x128xi1>
    %jit3A_115 = arith.constant -1.000000e+09 : f32
    %broadcast_in_dim3A_116 = vector.broadcast %jit3A_115 : f32 to vector<160x128xf32>
    %select_n3A_117 = arith.select %or3A_114, %get3A_76, %broadcast_in_dim3A_116 : vector<160x128xi1>, vector<160x128xf32>
    %swap3A_118 = arith.constant 1 : index
    %swap3A_119 = arith.constant 0 : index
    %swap3A_120 = arith.constant 0 : index
    %swap3A_121 = vector.load %arg1[%swap3A_118, %swap3A_119, %swap3A_120] : memref<2x160x128xf32, #tpu.memory_space<vmem>>, vector<1x160x128xf32>
    %swap3A_122 = vector.shape_cast %swap3A_121 : vector<1x160x128xf32> to vector<160x128xf32>
    %swap3A_123 = vector.shape_cast %select_n3A_117 : vector<160x128xf32> to vector<1x160x128xf32>
    tpu.vector_store %arg1[%swap3A_118, %swap3A_119, %swap3A_120], %swap3A_123 {strides = array<i32>} : memref<2x160x128xf32, #tpu.memory_space<vmem>>, vector<1x160x128xf32>,
    %convert_element_type3A_124 = arith.extui %or3A_114 : vector<160x128xi1> to vector<160x128xi32>
    %convert_element_type3A_125 = arith.sitofp %convert_element_type3A_124 : vector<160x128xi32> to vector<160x128xf32>
    %dot_general3A_126 = arith.constant dense<0.000000e+00> : vector<160x128xf32>
    %dot_general3A_127 = tpu.matmul %convert_element_type3A_125, %convert_element_type3A_6, %dot_general3A_126 {dimension_numbers = #tpu.dot_dimension_numbers<[1], [0], [0], [1], [0, 0, 1, 1], [], []>, transpose_lhs_hint = false} : vector<160x128xf32>, vector<128x128xf32>, vector<160x128xf32> -> vector<160x128xf32>
    %slice3A_128 = vector.extract_strided_slice %dot_general3A_127 {offsets = [0, 127], sizes = [160, 1], strides = [1, 1]} : vector<160x128xf32> to vector<160x1xf32>
    %dot_general3A_129 = arith.constant dense<0.000000e+00> : vector<160x1xf32>
    %dot_general3A_130 = tpu.matmul %convert_element_type3A_10, %slice3A_128, %dot_general3A_129 {dimension_numbers = #tpu.dot_dimension_numbers<[1], [0], [0], [1], [0, 0, 1, 1], [], []>, transpose_lhs_hint = false} : vector<160x160xf32>, vector<160x1xf32>, vector<160x1xf32> -> vector<160x1xf32>
    %sub3A_131 = arith.subf %dot_general3A_127, %convert_element_type3A_125 : vector<160x128xf32>
    %add3A_132 = vector.broadcast %dot_general3A_130 : vector<160x1xf32> to vector<160x128xf32>
    %add3A_133 = arith.addf %sub3A_131, %add3A_132 : vector<160x128xf32>
    %convert_element_type3A_134 = arith.fptosi %add3A_133 : vector<160x128xf32> to vector<160x128xi32>
    %add3A_135 = arith.constant 6144 : i32
    %add3A_136 = vector.broadcast %add3A_135 : i32 to vector<160x128xi32>
    %add3A_137 = arith.addi %add3A_136, %convert_element_type3A_134 : vector<160x128xi32>
    %add3A_138 = arith.constant 12448 : i32
    %add3A_139 = vector.broadcast %add3A_138 : i32 to vector<160x128xi32>
    %add3A_140 = arith.addi %add3A_139, %iota3A_3 : vector<160x128xi32>
    %select_n3A_141 = arith.select %or3A_114, %add3A_137, %add3A_140 : vector<160x128xi1>, vector<160x128xi32>
    %swap3A_142 = arith.constant 1 : index
    %swap3A_143 = arith.constant 0 : index
    %swap3A_144 = arith.constant 0 : index
    %swap3A_145 = vector.load %arg2[%swap3A_142, %swap3A_143, %swap3A_144] : memref<2x160x128xi32, #tpu.memory_space<vmem>>, vector<1x160x128xi32>
    %swap3A_146 = vector.shape_cast %swap3A_145 : vector<1x160x128xi32> to vector<160x128xi32>
    %swap3A_147 = vector.shape_cast %select_n3A_141 : vector<160x128xi32> to vector<1x160x128xi32>
    tpu.vector_store %arg2[%swap3A_142, %swap3A_143, %swap3A_144], %swap3A_147 {strides = array<i32>} : memref<2x160x128xi32, #tpu.memory_space<vmem>>, vector<1x160x128xi32>,
    return
  }
}

module attributes {stable_mosaic.version = 14 : i64} {
  func.func @_nms_body(%arg0: memref<16x2x48x128xf32, #tpu.memory_space<vmem>>, %arg1: memref<2x1000x128xf32, #tpu.memory_space<vmem>>, %arg2: memref<2x48x128xf32, #tpu.memory_space<vmem>>, %arg3: memref<2x48x128xf32, #tpu.memory_space<vmem>>, %arg4: memref<2x48x128xf32, #tpu.memory_space<vmem>>, %arg5: memref<2x48x128xf32, #tpu.memory_space<vmem>>, %arg6: memref<2x48x128xf32, #tpu.memory_space<vmem>>) attributes {dimension_semantics = [], scalar_prefetch = 0 : i64, scratch_operands = 5 : i64, tpu.core_type = #tpu.core_type<tc>} {
    %iota3A = tpu.iota {dimensions = array<i32: 0>} : vector<48x128xi32>
    %mul3A = arith.constant 128 : i32
    %mul3A_0 = vector.broadcast %mul3A : i32 to vector<48x128xi32>
    %mul3A_1 = arith.muli %iota3A, %mul3A_0 : vector<48x128xi32>
    %iota3A_2 = tpu.iota {dimensions = array<i32: 1>} : vector<48x128xi32>
    %add3A = arith.addi %mul3A_1, %iota3A_2 : vector<48x128xi32>
    %broadcast_in_dim3A = vector.shape_cast %add3A : vector<48x128xi32> to vector<1x48x128xi32>
    %broadcast_in_dim3A_3 = vector.broadcast %broadcast_in_dim3A : vector<1x48x128xi32> to vector<2x48x128xi32>
    %get3A = arith.constant 1 : index
    %get3A_4 = arith.constant 0 : index
    %get3A_5 = arith.constant 0 : index
    %get3A_6 = arith.constant 0 : index
    %get3A_7 = vector.load %arg0[%get3A, %get3A_4, %get3A_5, %get3A_6] : memref<16x2x48x128xf32, #tpu.memory_space<vmem>>, vector<1x2x48x128xf32>
    %get3A_8 = vector.shape_cast %get3A_7 : vector<1x2x48x128xf32> to vector<2x48x128xf32>
    %mul3A_9 = arith.constant 1.000000e-01 : f32
    %mul3A_10 = vector.broadcast %mul3A_9 : f32 to vector<2x48x128xf32>
    %mul3A_11 = arith.mulf %get3A_8, %mul3A_10 : vector<2x48x128xf32>
    %get3A_12 = arith.constant 2 : index
    %get3A_13 = arith.constant 0 : index
    %get3A_14 = arith.constant 0 : index
    %get3A_15 = arith.constant 0 : index
    %get3A_16 = vector.load %arg0[%get3A_12, %get3A_13, %get3A_14, %get3A_15] : memref<16x2x48x128xf32, #tpu.memory_space<vmem>>, vector<1x2x48x128xf32>
    %get3A_17 = vector.shape_cast %get3A_16 : vector<1x2x48x128xf32> to vector<2x48x128xf32>
    %mul3A_18 = arith.constant 1.000000e-01 : f32
    %mul3A_19 = vector.broadcast %mul3A_18 : f32 to vector<2x48x128xf32>
    %mul3A_20 = arith.mulf %get3A_17, %mul3A_19 : vector<2x48x128xf32>
    %get3A_21 = arith.constant 3 : index
    %get3A_22 = arith.constant 0 : index
    %get3A_23 = arith.constant 0 : index
    %get3A_24 = arith.constant 0 : index
    %get3A_25 = vector.load %arg0[%get3A_21, %get3A_22, %get3A_23, %get3A_24] : memref<16x2x48x128xf32, #tpu.memory_space<vmem>>, vector<1x2x48x128xf32>
    %get3A_26 = vector.shape_cast %get3A_25 : vector<1x2x48x128xf32> to vector<2x48x128xf32>
    %mul3A_27 = arith.constant 2.000000e-01 : f32
    %mul3A_28 = vector.broadcast %mul3A_27 : f32 to vector<2x48x128xf32>
    %mul3A_29 = arith.mulf %get3A_26, %mul3A_28 : vector<2x48x128xf32>
    %get3A_30 = arith.constant 4 : index
    %get3A_31 = arith.constant 0 : index
    %get3A_32 = arith.constant 0 : index
    %get3A_33 = arith.constant 0 : index
    %get3A_34 = vector.load %arg0[%get3A_30, %get3A_31, %get3A_32, %get3A_33] : memref<16x2x48x128xf32, #tpu.memory_space<vmem>>, vector<1x2x48x128xf32>
    %get3A_35 = vector.shape_cast %get3A_34 : vector<1x2x48x128xf32> to vector<2x48x128xf32>
    %mul3A_36 = arith.constant 2.000000e-01 : f32
    %mul3A_37 = vector.broadcast %mul3A_36 : f32 to vector<2x48x128xf32>
    %mul3A_38 = arith.mulf %get3A_35, %mul3A_37 : vector<2x48x128xf32>
    %get3A_39 = arith.constant 5 : index
    %get3A_40 = arith.constant 0 : index
    %get3A_41 = arith.constant 0 : index
    %get3A_42 = arith.constant 0 : index
    %get3A_43 = vector.load %arg0[%get3A_39, %get3A_40, %get3A_41, %get3A_42] : memref<16x2x48x128xf32, #tpu.memory_space<vmem>>, vector<1x2x48x128xf32>
    %get3A_44 = vector.shape_cast %get3A_43 : vector<1x2x48x128xf32> to vector<2x48x128xf32>
    %get3A_45 = arith.constant 6 : index
    %get3A_46 = arith.constant 0 : index
    %get3A_47 = arith.constant 0 : index
    %get3A_48 = arith.constant 0 : index
    %get3A_49 = vector.load %arg0[%get3A_45, %get3A_46, %get3A_47, %get3A_48] : memref<16x2x48x128xf32, #tpu.memory_space<vmem>>, vector<1x2x48x128xf32>
    %get3A_50 = vector.shape_cast %get3A_49 : vector<1x2x48x128xf32> to vector<2x48x128xf32>
    %get3A_51 = arith.constant 7 : index
    %get3A_52 = arith.constant 0 : index
    %get3A_53 = arith.constant 0 : index
    %get3A_54 = arith.constant 0 : index
    %get3A_55 = vector.load %arg0[%get3A_51, %get3A_52, %get3A_53, %get3A_54] : memref<16x2x48x128xf32, #tpu.memory_space<vmem>>, vector<1x2x48x128xf32>
    %get3A_56 = vector.shape_cast %get3A_55 : vector<1x2x48x128xf32> to vector<2x48x128xf32>
    %get3A_57 = arith.constant 8 : index
    %get3A_58 = arith.constant 0 : index
    %get3A_59 = arith.constant 0 : index
    %get3A_60 = arith.constant 0 : index
    %get3A_61 = vector.load %arg0[%get3A_57, %get3A_58, %get3A_59, %get3A_60] : memref<16x2x48x128xf32, #tpu.memory_space<vmem>>, vector<1x2x48x128xf32>
    %get3A_62 = vector.shape_cast %get3A_61 : vector<1x2x48x128xf32> to vector<2x48x128xf32>
    %sub3A = arith.subf %get3A_56, %get3A_44 : vector<2x48x128xf32>
    %sub3A_63 = arith.subf %get3A_62, %get3A_50 : vector<2x48x128xf32>
    %mul3A_64 = arith.constant 5.000000e-01 : f32
    %mul3A_65 = vector.broadcast %mul3A_64 : f32 to vector<2x48x128xf32>
    %mul3A_66 = arith.mulf %mul3A_65, %sub3A : vector<2x48x128xf32>
    %add3A_67 = arith.addf %get3A_44, %mul3A_66 : vector<2x48x128xf32>
    %mul3A_68 = arith.constant 5.000000e-01 : f32
    %mul3A_69 = vector.broadcast %mul3A_68 : f32 to vector<2x48x128xf32>
    %mul3A_70 = arith.mulf %mul3A_69, %sub3A_63 : vector<2x48x128xf32>
    %add3A_71 = arith.addf %get3A_50, %mul3A_70 : vector<2x48x128xf32>
    %mul3A_72 = arith.mulf %mul3A_11, %sub3A : vector<2x48x128xf32>
    %add3A_73 = arith.addf %add3A_67, %mul3A_72 : vector<2x48x128xf32>
    %mul3A_74 = arith.mulf %mul3A_20, %sub3A_63 : vector<2x48x128xf32>
    %add3A_75 = arith.addf %add3A_71, %mul3A_74 : vector<2x48x128xf32>
    %exp3A = math.exp %mul3A_29 : vector<2x48x128xf32>
    %mul3A_76 = arith.mulf %sub3A, %exp3A : vector<2x48x128xf32>
    %exp3A_77 = math.exp %mul3A_38 : vector<2x48x128xf32>
    %mul3A_78 = arith.mulf %sub3A_63, %exp3A_77 : vector<2x48x128xf32>
    %mul3A_79 = arith.constant 5.000000e-01 : f32
    %mul3A_80 = vector.broadcast %mul3A_79 : f32 to vector<2x48x128xf32>
    %mul3A_81 = arith.mulf %mul3A_80, %mul3A_76 : vector<2x48x128xf32>
    %sub3A_82 = arith.subf %add3A_73, %mul3A_81 : vector<2x48x128xf32>
    %mul3A_83 = arith.constant 5.000000e-01 : f32
    %mul3A_84 = vector.broadcast %mul3A_83 : f32 to vector<2x48x128xf32>
    %mul3A_85 = arith.mulf %mul3A_84, %mul3A_78 : vector<2x48x128xf32>
    %sub3A_86 = arith.subf %add3A_75, %mul3A_85 : vector<2x48x128xf32>
    %add3A_87 = arith.addf %sub3A_82, %mul3A_76 : vector<2x48x128xf32>
    %add3A_88 = arith.addf %sub3A_86, %mul3A_78 : vector<2x48x128xf32>
    %min3A = arith.constant 1.000000e+00 : f32
    %min3A_89 = vector.broadcast %min3A : f32 to vector<2x48x128xf32>
    %min3A_90 = arith.minimumf %sub3A_82, %min3A_89 : vector<2x48x128xf32>
    %max3A = arith.constant 0.000000e+00 : f32
    %max3A_91 = vector.broadcast %max3A : f32 to vector<2x48x128xf32>
    %max3A_92 = arith.maximumf %min3A_90, %max3A_91 : vector<2x48x128xf32>
    %min3A_93 = arith.constant 1.000000e+00 : f32
    %min3A_94 = vector.broadcast %min3A_93 : f32 to vector<2x48x128xf32>
    %min3A_95 = arith.minimumf %sub3A_86, %min3A_94 : vector<2x48x128xf32>
    %max3A_96 = arith.constant 0.000000e+00 : f32
    %max3A_97 = vector.broadcast %max3A_96 : f32 to vector<2x48x128xf32>
    %max3A_98 = arith.maximumf %min3A_95, %max3A_97 : vector<2x48x128xf32>
    %min3A_99 = arith.constant 1.000000e+00 : f32
    %min3A_100 = vector.broadcast %min3A_99 : f32 to vector<2x48x128xf32>
    %min3A_101 = arith.minimumf %add3A_87, %min3A_100 : vector<2x48x128xf32>
    %max3A_102 = arith.constant 0.000000e+00 : f32
    %max3A_103 = vector.broadcast %max3A_102 : f32 to vector<2x48x128xf32>
    %max3A_104 = arith.maximumf %min3A_101, %max3A_103 : vector<2x48x128xf32>
    %min3A_105 = arith.constant 1.000000e+00 : f32
    %min3A_106 = vector.broadcast %min3A_105 : f32 to vector<2x48x128xf32>
    %min3A_107 = arith.minimumf %add3A_88, %min3A_106 : vector<2x48x128xf32>
    %max3A_108 = arith.constant 0.000000e+00 : f32
    %max3A_109 = vector.broadcast %max3A_108 : f32 to vector<2x48x128xf32>
    %max3A_110 = arith.maximumf %min3A_107, %max3A_109 : vector<2x48x128xf32>
    %swap3A = arith.constant 0 : index
    %swap3A_111 = arith.constant 0 : index
    %swap3A_112 = arith.constant 0 : index
    %swap3A_113 = vector.load %arg2[%swap3A, %swap3A_111, %swap3A_112] : memref<2x48x128xf32, #tpu.memory_space<vmem>>, vector<2x48x128xf32>
    tpu.vector_store %arg2[%swap3A, %swap3A_111, %swap3A_112], %max3A_92 {strides = array<i32>} : memref<2x48x128xf32, #tpu.memory_space<vmem>>, vector<2x48x128xf32>,
    %swap3A_114 = arith.constant 0 : index
    %swap3A_115 = arith.constant 0 : index
    %swap3A_116 = arith.constant 0 : index
    %swap3A_117 = vector.load %arg3[%swap3A_114, %swap3A_115, %swap3A_116] : memref<2x48x128xf32, #tpu.memory_space<vmem>>, vector<2x48x128xf32>
    tpu.vector_store %arg3[%swap3A_114, %swap3A_115, %swap3A_116], %max3A_98 {strides = array<i32>} : memref<2x48x128xf32, #tpu.memory_space<vmem>>, vector<2x48x128xf32>,
    %swap3A_118 = arith.constant 0 : index
    %swap3A_119 = arith.constant 0 : index
    %swap3A_120 = arith.constant 0 : index
    %swap3A_121 = vector.load %arg4[%swap3A_118, %swap3A_119, %swap3A_120] : memref<2x48x128xf32, #tpu.memory_space<vmem>>, vector<2x48x128xf32>
    tpu.vector_store %arg4[%swap3A_118, %swap3A_119, %swap3A_120], %max3A_104 {strides = array<i32>} : memref<2x48x128xf32, #tpu.memory_space<vmem>>, vector<2x48x128xf32>,
    %swap3A_122 = arith.constant 0 : index
    %swap3A_123 = arith.constant 0 : index
    %swap3A_124 = arith.constant 0 : index
    %swap3A_125 = vector.load %arg5[%swap3A_122, %swap3A_123, %swap3A_124] : memref<2x48x128xf32, #tpu.memory_space<vmem>>, vector<2x48x128xf32>
    tpu.vector_store %arg5[%swap3A_122, %swap3A_123, %swap3A_124], %max3A_110 {strides = array<i32>} : memref<2x48x128xf32, #tpu.memory_space<vmem>>, vector<2x48x128xf32>,
    %sub3A_126 = arith.subf %max3A_104, %max3A_92 : vector<2x48x128xf32>
    %sub3A_127 = arith.subf %max3A_110, %max3A_98 : vector<2x48x128xf32>
    %mul3A_128 = arith.mulf %sub3A_126, %sub3A_127 : vector<2x48x128xf32>
    %swap3A_129 = arith.constant 0 : index
    %swap3A_130 = arith.constant 0 : index
    %swap3A_131 = arith.constant 0 : index
    %swap3A_132 = vector.load %arg6[%swap3A_129, %swap3A_130, %swap3A_131] : memref<2x48x128xf32, #tpu.memory_space<vmem>>, vector<2x48x128xf32>
    tpu.vector_store %arg6[%swap3A_129, %swap3A_130, %swap3A_131], %mul3A_128 {strides = array<i32>} : memref<2x48x128xf32, #tpu.memory_space<vmem>>, vector<2x48x128xf32>,
    %convert_element_type3A = arith.sitofp %broadcast_in_dim3A_3 : vector<2x48x128xi32> to vector<2x48x128xf32>
    %iota3A_133 = tpu.iota {dimensions = array<i32: 2>} : vector<1x1x128xi32>
    %mul3A_134 = arith.constant -1.000000e+09 : f32
    %mul3A_135 = arith.constant 5.000000e-01 : f32
    %mul3A_136 = arith.mulf %mul3A_134, %mul3A_135 : f32
    %lt3A = arith.constant 6000 : i32
    %lt3A_137 = vector.broadcast %lt3A : i32 to vector<2x48x128xi32>
    %lt3A_138 = arith.cmpi slt, %broadcast_in_dim3A_3, %lt3A_137 : vector<2x48x128xi32>
    %get3A_139 = arith.constant 0 : index
    %get3A_140 = arith.constant 0 : index
    %get3A_141 = arith.constant 0 : index
    %get3A_142 = arith.constant 0 : index
    %get3A_143 = vector.load %arg0[%get3A_139, %get3A_140, %get3A_141, %get3A_142] : memref<16x2x48x128xf32, #tpu.memory_space<vmem>>, vector<1x2x48x128xf32>
    %get3A_144 = vector.shape_cast %get3A_143 : vector<1x2x48x128xf32> to vector<2x48x128xf32>
    %jit3A = arith.constant -1.000000e+09 : f32
    %broadcast_in_dim3A_145 = vector.broadcast %jit3A : f32 to vector<2x48x128xf32>
    %select_n3A = arith.select %lt3A_138, %get3A_144, %broadcast_in_dim3A_145 : vector<2x48x128xi1>, vector<2x48x128xf32>
    %while3A = arith.constant 1000 : i32
    %while3A_146 = arith.constant 1.07374182E+9 : f32
    %while3A_147 = arith.constant 0.000000e+00 : f32
    %while3A_148 = arith.constant -1.000000e+09 : f32
    %while3A_149 = arith.constant 9.99999993E-9 : f32
    %while3A_150 = arith.constant 0.699999988 : f32
    %while3A_151 = arith.constant 1000 : i32
    %while3A_152 = arith.constant 0 : i32
    %while3A_153:2 = scf.while (%while3A_154 = %while3A_152, %while3A_155 = %select_n3A) : (i32, vector<2x48x128xf32>) -> (i32, vector<2x48x128xf32>) {
      %lt3A_156 = arith.cmpi slt, %while3A_154, %while3A : i32
      scf.condition(%lt3A_156) %while3A_154, %while3A_155 : i32, vector<2x48x128xf32>
    } do {
    ^bb0(%while3A_154: i32, %while3A_155: vector<2x48x128xf32>):
      %get3A_156 = arith.constant 0 : index
      %get3A_157 = arith.constant 0 : index
      %get3A_158 = arith.constant 0 : index
      %get3A_159 = vector.load %arg2[%get3A_156, %get3A_157, %get3A_158] : memref<2x48x128xf32, #tpu.memory_space<vmem>>, vector<2x48x128xf32>
      %get3A_160 = arith.constant 0 : index
      %get3A_161 = arith.constant 0 : index
      %get3A_162 = arith.constant 0 : index
      %get3A_163 = vector.load %arg3[%get3A_160, %get3A_161, %get3A_162] : memref<2x48x128xf32, #tpu.memory_space<vmem>>, vector<2x48x128xf32>
      %get3A_164 = arith.constant 0 : index
      %get3A_165 = arith.constant 0 : index
      %get3A_166 = arith.constant 0 : index
      %get3A_167 = vector.load %arg4[%get3A_164, %get3A_165, %get3A_166] : memref<2x48x128xf32, #tpu.memory_space<vmem>>, vector<2x48x128xf32>
      %get3A_168 = arith.constant 0 : index
      %get3A_169 = arith.constant 0 : index
      %get3A_170 = arith.constant 0 : index
      %get3A_171 = vector.load %arg5[%get3A_168, %get3A_169, %get3A_170] : memref<2x48x128xf32, #tpu.memory_space<vmem>>, vector<2x48x128xf32>
      %get3A_172 = arith.constant 0 : index
      %get3A_173 = arith.constant 0 : index
      %get3A_174 = arith.constant 0 : index
      %get3A_175 = vector.load %arg6[%get3A_172, %get3A_173, %get3A_174] : memref<2x48x128xf32, #tpu.memory_space<vmem>>, vector<2x48x128xf32>
      %reduce_max3A = arith.constant dense<0xFF800000> : vector<2x128xf32>
      %reduce_max3A_176 = vector.multi_reduction <maximumf>, %while3A_155, %reduce_max3A [1] : vector<2x48x128xf32> to vector<2x128xf32>
      %broadcast_in_dim3A_177 = vector.shape_cast %reduce_max3A_176 : vector<2x128xf32> to vector<2x1x128xf32>
      %reduce_max3A_178 = arith.constant dense<0xFF800000> : vector<2x1xf32>
      %reduce_max3A_179 = vector.multi_reduction <maximumf>, %broadcast_in_dim3A_177, %reduce_max3A_178 [2] : vector<2x1x128xf32> to vector<2x1xf32>
      %broadcast_in_dim3A_180 = vector.shape_cast %reduce_max3A_179 : vector<2x1xf32> to vector<2x1x1xf32>
      %eq3A = vector.broadcast %broadcast_in_dim3A_180 : vector<2x1x1xf32> to vector<2x48x128xf32>
      %eq3A_181 = arith.cmpf oeq, %while3A_155, %eq3A : vector<2x48x128xf32>
      %broadcast_in_dim3A_182 = vector.broadcast %while3A_146 : f32 to vector<2x48x128xf32>
      %select_n3A_183 = arith.select %eq3A_181, %convert_element_type3A, %broadcast_in_dim3A_182 : vector<2x48x128xi1>, vector<2x48x128xf32>
      %reduce_min3A = arith.constant dense<0x7F800000> : vector<2x128xf32>
      %reduce_min3A_184 = vector.multi_reduction <minimumf>, %select_n3A_183, %reduce_min3A [1] : vector<2x48x128xf32> to vector<2x128xf32>
      %broadcast_in_dim3A_185 = vector.shape_cast %reduce_min3A_184 : vector<2x128xf32> to vector<2x1x128xf32>
      %reduce_min3A_186 = arith.constant dense<0x7F800000> : vector<2x1xf32>
      %reduce_min3A_187 = vector.multi_reduction <minimumf>, %broadcast_in_dim3A_185, %reduce_min3A_186 [2] : vector<2x1x128xf32> to vector<2x1xf32>
      %broadcast_in_dim3A_188 = vector.shape_cast %reduce_min3A_187 : vector<2x1xf32> to vector<2x1x1xf32>
      %eq3A_189 = vector.broadcast %broadcast_in_dim3A_188 : vector<2x1x1xf32> to vector<2x48x128xf32>
      %eq3A_190 = arith.cmpf oeq, %convert_element_type3A, %eq3A_189 : vector<2x48x128xf32>
      %broadcast_in_dim3A_191 = vector.broadcast %while3A_147 : f32 to vector<2x48x128xf32>
      %select_n3A_192 = arith.select %eq3A_190, %get3A_159, %broadcast_in_dim3A_191 : vector<2x48x128xi1>, vector<2x48x128xf32>
      %reduce_sum3A = arith.constant dense<0.000000e+00> : vector<2x128xf32>
      %reduce_sum3A_193 = vector.multi_reduction <add>, %select_n3A_192, %reduce_sum3A [1] : vector<2x48x128xf32> to vector<2x128xf32>
      %broadcast_in_dim3A_194 = vector.shape_cast %reduce_sum3A_193 : vector<2x128xf32> to vector<2x1x128xf32>
      %reduce_sum3A_195 = arith.constant dense<0.000000e+00> : vector<2x1xf32>
      %reduce_sum3A_196 = vector.multi_reduction <add>, %broadcast_in_dim3A_194, %reduce_sum3A_195 [2] : vector<2x1x128xf32> to vector<2x1xf32>
      %broadcast_in_dim3A_197 = vector.shape_cast %reduce_sum3A_196 : vector<2x1xf32> to vector<2x1x1xf32>
      %broadcast_in_dim3A_198 = vector.broadcast %while3A_147 : f32 to vector<2x48x128xf32>
      %select_n3A_199 = arith.select %eq3A_190, %get3A_163, %broadcast_in_dim3A_198 : vector<2x48x128xi1>, vector<2x48x128xf32>
      %reduce_sum3A_200 = arith.constant dense<0.000000e+00> : vector<2x128xf32>
      %reduce_sum3A_201 = vector.multi_reduction <add>, %select_n3A_199, %reduce_sum3A_200 [1] : vector<2x48x128xf32> to vector<2x128xf32>
      %broadcast_in_dim3A_202 = vector.shape_cast %reduce_sum3A_201 : vector<2x128xf32> to vector<2x1x128xf32>
      %reduce_sum3A_203 = arith.constant dense<0.000000e+00> : vector<2x1xf32>
      %reduce_sum3A_204 = vector.multi_reduction <add>, %broadcast_in_dim3A_202, %reduce_sum3A_203 [2] : vector<2x1x128xf32> to vector<2x1xf32>
      %broadcast_in_dim3A_205 = vector.shape_cast %reduce_sum3A_204 : vector<2x1xf32> to vector<2x1x1xf32>
      %broadcast_in_dim3A_206 = vector.broadcast %while3A_147 : f32 to vector<2x48x128xf32>
      %select_n3A_207 = arith.select %eq3A_190, %get3A_167, %broadcast_in_dim3A_206 : vector<2x48x128xi1>, vector<2x48x128xf32>
      %reduce_sum3A_208 = arith.constant dense<0.000000e+00> : vector<2x128xf32>
      %reduce_sum3A_209 = vector.multi_reduction <add>, %select_n3A_207, %reduce_sum3A_208 [1] : vector<2x48x128xf32> to vector<2x128xf32>
      %broadcast_in_dim3A_210 = vector.shape_cast %reduce_sum3A_209 : vector<2x128xf32> to vector<2x1x128xf32>
      %reduce_sum3A_211 = arith.constant dense<0.000000e+00> : vector<2x1xf32>
      %reduce_sum3A_212 = vector.multi_reduction <add>, %broadcast_in_dim3A_210, %reduce_sum3A_211 [2] : vector<2x1x128xf32> to vector<2x1xf32>
      %broadcast_in_dim3A_213 = vector.shape_cast %reduce_sum3A_212 : vector<2x1xf32> to vector<2x1x1xf32>
      %broadcast_in_dim3A_214 = vector.broadcast %while3A_147 : f32 to vector<2x48x128xf32>
      %select_n3A_215 = arith.select %eq3A_190, %get3A_171, %broadcast_in_dim3A_214 : vector<2x48x128xi1>, vector<2x48x128xf32>
      %reduce_sum3A_216 = arith.constant dense<0.000000e+00> : vector<2x128xf32>
      %reduce_sum3A_217 = vector.multi_reduction <add>, %select_n3A_215, %reduce_sum3A_216 [1] : vector<2x48x128xf32> to vector<2x128xf32>
      %broadcast_in_dim3A_218 = vector.shape_cast %reduce_sum3A_217 : vector<2x128xf32> to vector<2x1x128xf32>
      %reduce_sum3A_219 = arith.constant dense<0.000000e+00> : vector<2x1xf32>
      %reduce_sum3A_220 = vector.multi_reduction <add>, %broadcast_in_dim3A_218, %reduce_sum3A_219 [2] : vector<2x1x128xf32> to vector<2x1xf32>
      %broadcast_in_dim3A_221 = vector.shape_cast %reduce_sum3A_220 : vector<2x1xf32> to vector<2x1x1xf32>
      %broadcast_in_dim3A_222 = vector.broadcast %while3A_148 : f32 to vector<2x48x128xf32>
      %select_n3A_223 = arith.select %eq3A_190, %broadcast_in_dim3A_222, %while3A_155 : vector<2x48x128xi1>, vector<2x48x128xf32>
      %reduce_max3A_224 = arith.constant dense<0xFF800000> : vector<2x128xf32>
      %reduce_max3A_225 = vector.multi_reduction <maximumf>, %select_n3A_223, %reduce_max3A_224 [1] : vector<2x48x128xf32> to vector<2x128xf32>
      %broadcast_in_dim3A_226 = vector.shape_cast %reduce_max3A_225 : vector<2x128xf32> to vector<2x1x128xf32>
      %reduce_max3A_227 = arith.constant dense<0xFF800000> : vector<2x1xf32>
      %reduce_max3A_228 = vector.multi_reduction <maximumf>, %broadcast_in_dim3A_226, %reduce_max3A_227 [2] : vector<2x1x128xf32> to vector<2x1xf32>
      %broadcast_in_dim3A_229 = vector.shape_cast %reduce_max3A_228 : vector<2x1xf32> to vector<2x1x1xf32>
      %eq3A_230 = vector.broadcast %broadcast_in_dim3A_229 : vector<2x1x1xf32> to vector<2x48x128xf32>
      %eq3A_231 = arith.cmpf oeq, %select_n3A_223, %eq3A_230 : vector<2x48x128xf32>
      %broadcast_in_dim3A_232 = vector.broadcast %while3A_146 : f32 to vector<2x48x128xf32>
      %select_n3A_233 = arith.select %eq3A_231, %convert_element_type3A, %broadcast_in_dim3A_232 : vector<2x48x128xi1>, vector<2x48x128xf32>
      %reduce_min3A_234 = arith.constant dense<0x7F800000> : vector<2x128xf32>
      %reduce_min3A_235 = vector.multi_reduction <minimumf>, %select_n3A_233, %reduce_min3A_234 [1] : vector<2x48x128xf32> to vector<2x128xf32>
      %broadcast_in_dim3A_236 = vector.shape_cast %reduce_min3A_235 : vector<2x128xf32> to vector<2x1x128xf32>
      %reduce_min3A_237 = arith.constant dense<0x7F800000> : vector<2x1xf32>
      %reduce_min3A_238 = vector.multi_reduction <minimumf>, %broadcast_in_dim3A_236, %reduce_min3A_237 [2] : vector<2x1x128xf32> to vector<2x1xf32>
      %broadcast_in_dim3A_239 = vector.shape_cast %reduce_min3A_238 : vector<2x1xf32> to vector<2x1x1xf32>
      %eq3A_240 = vector.broadcast %broadcast_in_dim3A_239 : vector<2x1x1xf32> to vector<2x48x128xf32>
      %eq3A_241 = arith.cmpf oeq, %convert_element_type3A, %eq3A_240 : vector<2x48x128xf32>
      %broadcast_in_dim3A_242 = vector.broadcast %while3A_147 : f32 to vector<2x48x128xf32>
      %select_n3A_243 = arith.select %eq3A_241, %get3A_159, %broadcast_in_dim3A_242 : vector<2x48x128xi1>, vector<2x48x128xf32>
      %reduce_sum3A_244 = arith.constant dense<0.000000e+00> : vector<2x128xf32>
      %reduce_sum3A_245 = vector.multi_reduction <add>, %select_n3A_243, %reduce_sum3A_244 [1] : vector<2x48x128xf32> to vector<2x128xf32>
      %broadcast_in_dim3A_246 = vector.shape_cast %reduce_sum3A_245 : vector<2x128xf32> to vector<2x1x128xf32>
      %reduce_sum3A_247 = arith.constant dense<0.000000e+00> : vector<2x1xf32>
      %reduce_sum3A_248 = vector.multi_reduction <add>, %broadcast_in_dim3A_246, %reduce_sum3A_247 [2] : vector<2x1x128xf32> to vector<2x1xf32>
      %broadcast_in_dim3A_249 = vector.shape_cast %reduce_sum3A_248 : vector<2x1xf32> to vector<2x1x1xf32>
      %broadcast_in_dim3A_250 = vector.broadcast %while3A_147 : f32 to vector<2x48x128xf32>
      %select_n3A_251 = arith.select %eq3A_241, %get3A_163, %broadcast_in_dim3A_250 : vector<2x48x128xi1>, vector<2x48x128xf32>
      %reduce_sum3A_252 = arith.constant dense<0.000000e+00> : vector<2x128xf32>
      %reduce_sum3A_253 = vector.multi_reduction <add>, %select_n3A_251, %reduce_sum3A_252 [1] : vector<2x48x128xf32> to vector<2x128xf32>
      %broadcast_in_dim3A_254 = vector.shape_cast %reduce_sum3A_253 : vector<2x128xf32> to vector<2x1x128xf32>
      %reduce_sum3A_255 = arith.constant dense<0.000000e+00> : vector<2x1xf32>
      %reduce_sum3A_256 = vector.multi_reduction <add>, %broadcast_in_dim3A_254, %reduce_sum3A_255 [2] : vector<2x1x128xf32> to vector<2x1xf32>
      %broadcast_in_dim3A_257 = vector.shape_cast %reduce_sum3A_256 : vector<2x1xf32> to vector<2x1x1xf32>
      %broadcast_in_dim3A_258 = vector.broadcast %while3A_147 : f32 to vector<2x48x128xf32>
      %select_n3A_259 = arith.select %eq3A_241, %get3A_167, %broadcast_in_dim3A_258 : vector<2x48x128xi1>, vector<2x48x128xf32>
      %reduce_sum3A_260 = arith.constant dense<0.000000e+00> : vector<2x128xf32>
      %reduce_sum3A_261 = vector.multi_reduction <add>, %select_n3A_259, %reduce_sum3A_260 [1] : vector<2x48x128xf32> to vector<2x128xf32>
      %broadcast_in_dim3A_262 = vector.shape_cast %reduce_sum3A_261 : vector<2x128xf32> to vector<2x1x128xf32>
      %reduce_sum3A_263 = arith.constant dense<0.000000e+00> : vector<2x1xf32>
      %reduce_sum3A_264 = vector.multi_reduction <add>, %broadcast_in_dim3A_262, %reduce_sum3A_263 [2] : vector<2x1x128xf32> to vector<2x1xf32>
      %broadcast_in_dim3A_265 = vector.shape_cast %reduce_sum3A_264 : vector<2x1xf32> to vector<2x1x1xf32>
      %broadcast_in_dim3A_266 = vector.broadcast %while3A_147 : f32 to vector<2x48x128xf32>
      %select_n3A_267 = arith.select %eq3A_241, %get3A_171, %broadcast_in_dim3A_266 : vector<2x48x128xi1>, vector<2x48x128xf32>
      %reduce_sum3A_268 = arith.constant dense<0.000000e+00> : vector<2x128xf32>
      %reduce_sum3A_269 = vector.multi_reduction <add>, %select_n3A_267, %reduce_sum3A_268 [1] : vector<2x48x128xf32> to vector<2x128xf32>
      %broadcast_in_dim3A_270 = vector.shape_cast %reduce_sum3A_269 : vector<2x128xf32> to vector<2x1x128xf32>
      %reduce_sum3A_271 = arith.constant dense<0.000000e+00> : vector<2x1xf32>
      %reduce_sum3A_272 = vector.multi_reduction <add>, %broadcast_in_dim3A_270, %reduce_sum3A_271 [2] : vector<2x1x128xf32> to vector<2x1xf32>
      %broadcast_in_dim3A_273 = vector.shape_cast %reduce_sum3A_272 : vector<2x1xf32> to vector<2x1x1xf32>
      %sub3A_274 = arith.subf %broadcast_in_dim3A_213, %broadcast_in_dim3A_197 : vector<2x1x1xf32>
      %sub3A_275 = arith.subf %broadcast_in_dim3A_221, %broadcast_in_dim3A_205 : vector<2x1x1xf32>
      %mul3A_276 = arith.mulf %sub3A_274, %sub3A_275 : vector<2x1x1xf32>
      %max3A_277 = vector.broadcast %broadcast_in_dim3A_197 : vector<2x1x1xf32> to vector<2x48x128xf32>
      %max3A_278 = arith.maximumf %max3A_277, %get3A_159 : vector<2x48x128xf32>
      %max3A_279 = vector.broadcast %broadcast_in_dim3A_205 : vector<2x1x1xf32> to vector<2x48x128xf32>
      %max3A_280 = arith.maximumf %max3A_279, %get3A_163 : vector<2x48x128xf32>
      %min3A_281 = vector.broadcast %broadcast_in_dim3A_213 : vector<2x1x1xf32> to vector<2x48x128xf32>
      %min3A_282 = arith.minimumf %min3A_281, %get3A_167 : vector<2x48x128xf32>
      %min3A_283 = vector.broadcast %broadcast_in_dim3A_221 : vector<2x1x1xf32> to vector<2x48x128xf32>
      %min3A_284 = arith.minimumf %min3A_283, %get3A_171 : vector<2x48x128xf32>
      %sub3A_285 = arith.subf %min3A_282, %max3A_278 : vector<2x48x128xf32>
      %max3A_286 = vector.broadcast %while3A_147 : f32 to vector<2x48x128xf32>
      %max3A_287 = arith.maximumf %sub3A_285, %max3A_286 : vector<2x48x128xf32>
      %sub3A_288 = arith.subf %min3A_284, %max3A_280 : vector<2x48x128xf32>
      %max3A_289 = vector.broadcast %while3A_147 : f32 to vector<2x48x128xf32>
      %max3A_290 = arith.maximumf %sub3A_288, %max3A_289 : vector<2x48x128xf32>
      %mul3A_291 = arith.mulf %max3A_287, %max3A_290 : vector<2x48x128xf32>
      %add3A_292 = vector.broadcast %mul3A_276 : vector<2x1x1xf32> to vector<2x48x128xf32>
      %add3A_293 = arith.addf %get3A_175, %add3A_292 : vector<2x48x128xf32>
      %sub3A_294 = arith.subf %add3A_293, %mul3A_291 : vector<2x48x128xf32>
      %add3A_295 = vector.broadcast %while3A_149 : f32 to vector<2x48x128xf32>
      %add3A_296 = arith.addf %sub3A_294, %add3A_295 : vector<2x48x128xf32>
      %div3A = arith.divf %mul3A_291, %add3A_296 : vector<2x48x128xf32>
      %sub3A_297 = arith.subf %broadcast_in_dim3A_265, %broadcast_in_dim3A_249 : vector<2x1x1xf32>
      %sub3A_298 = arith.subf %broadcast_in_dim3A_273, %broadcast_in_dim3A_257 : vector<2x1x1xf32>
      %mul3A_299 = arith.mulf %sub3A_297, %sub3A_298 : vector<2x1x1xf32>
      %max3A_300 = vector.broadcast %broadcast_in_dim3A_249 : vector<2x1x1xf32> to vector<2x48x128xf32>
      %max3A_301 = arith.maximumf %max3A_300, %get3A_159 : vector<2x48x128xf32>
      %max3A_302 = vector.broadcast %broadcast_in_dim3A_257 : vector<2x1x1xf32> to vector<2x48x128xf32>
      %max3A_303 = arith.maximumf %max3A_302, %get3A_163 : vector<2x48x128xf32>
      %min3A_304 = vector.broadcast %broadcast_in_dim3A_265 : vector<2x1x1xf32> to vector<2x48x128xf32>
      %min3A_305 = arith.minimumf %min3A_304, %get3A_167 : vector<2x48x128xf32>
      %min3A_306 = vector.broadcast %broadcast_in_dim3A_273 : vector<2x1x1xf32> to vector<2x48x128xf32>
      %min3A_307 = arith.minimumf %min3A_306, %get3A_171 : vector<2x48x128xf32>
      %sub3A_308 = arith.subf %min3A_305, %max3A_301 : vector<2x48x128xf32>
      %max3A_309 = vector.broadcast %while3A_147 : f32 to vector<2x48x128xf32>
      %max3A_310 = arith.maximumf %sub3A_308, %max3A_309 : vector<2x48x128xf32>
      %sub3A_311 = arith.subf %min3A_307, %max3A_303 : vector<2x48x128xf32>
      %max3A_312 = vector.broadcast %while3A_147 : f32 to vector<2x48x128xf32>
      %max3A_313 = arith.maximumf %sub3A_311, %max3A_312 : vector<2x48x128xf32>
      %mul3A_314 = arith.mulf %max3A_310, %max3A_313 : vector<2x48x128xf32>
      %add3A_315 = vector.broadcast %mul3A_299 : vector<2x1x1xf32> to vector<2x48x128xf32>
      %add3A_316 = arith.addf %get3A_175, %add3A_315 : vector<2x48x128xf32>
      %sub3A_317 = arith.subf %add3A_316, %mul3A_314 : vector<2x48x128xf32>
      %add3A_318 = vector.broadcast %while3A_149 : f32 to vector<2x48x128xf32>
      %add3A_319 = arith.addf %sub3A_317, %add3A_318 : vector<2x48x128xf32>
      %div3A_320 = arith.divf %mul3A_314, %add3A_319 : vector<2x48x128xf32>
      %broadcast_in_dim3A_321 = vector.broadcast %while3A_147 : f32 to vector<2x48x128xf32>
      %select_n3A_322 = arith.select %eq3A_241, %div3A, %broadcast_in_dim3A_321 : vector<2x48x128xi1>, vector<2x48x128xf32>
      %reduce_sum3A_323 = arith.constant dense<0.000000e+00> : vector<2x128xf32>
      %reduce_sum3A_324 = vector.multi_reduction <add>, %select_n3A_322, %reduce_sum3A_323 [1] : vector<2x48x128xf32> to vector<2x128xf32>
      %broadcast_in_dim3A_325 = vector.shape_cast %reduce_sum3A_324 : vector<2x128xf32> to vector<2x1x128xf32>
      %reduce_sum3A_326 = arith.constant dense<0.000000e+00> : vector<2x1xf32>
      %reduce_sum3A_327 = vector.multi_reduction <add>, %broadcast_in_dim3A_325, %reduce_sum3A_326 [2] : vector<2x1x128xf32> to vector<2x1xf32>
      %broadcast_in_dim3A_328 = vector.shape_cast %reduce_sum3A_327 : vector<2x1xf32> to vector<2x1x1xf32>
      %lt3A_329 = vector.broadcast %while3A_150 : f32 to vector<2x1x1xf32>
      %lt3A_330 = arith.cmpf olt, %broadcast_in_dim3A_328, %lt3A_329 : vector<2x1x1xf32>
      %jit3A_331 = arith.constant 1 : i32
      %jit3A_332 = arith.constant 0 : i32
      %broadcast_in_dim3A_333 = vector.broadcast %jit3A_331 : i32 to vector<2x1x1xi32>
      %broadcast_in_dim3A_334 = vector.broadcast %jit3A_332 : i32 to vector<2x1x1xi32>
      %select_n3A_335 = arith.select %lt3A_330, %broadcast_in_dim3A_333, %broadcast_in_dim3A_334 : vector<2x1x1xi1>, vector<2x1x1xi32>
      %reduce_min3A_336 = vector.shape_cast %select_n3A_335 : vector<2x1x1xi32> to vector<1x2x1x1xi32>
      %reduce_min3A_337 = arith.constant dense<2147483647> : vector<1xi32>
      %reduce_min3A_338 = vector.multi_reduction <minsi>, %reduce_min3A_336, %reduce_min3A_337 [1, 2, 3] : vector<1x2x1x1xi32> to vector<1xi32>
      %reduce_min3A_339 = vector.shape_cast %reduce_min3A_338 : vector<1xi32> to vector<1x1x1x1xi32>
      %reduce_min3A_340 = vector.extract %reduce_min3A_339[0, 0, 0, 0] : i32 from vector<1x1x1x1xi32>
      %gt3A = arith.constant 0 : i32
      %gt3A_341 = arith.cmpi sgt, %reduce_min3A_340, %gt3A : i32
      %ge3A = vector.broadcast %while3A_150 : f32 to vector<2x48x128xf32>
      %ge3A_342 = arith.cmpf oge, %div3A, %ge3A : vector<2x48x128xf32>
      %ge3A_343 = vector.broadcast %while3A_150 : f32 to vector<2x48x128xf32>
      %ge3A_344 = arith.cmpf oge, %div3A_320, %ge3A_343 : vector<2x48x128xf32>
      %and3A = vector.broadcast %gt3A_341 : i1 to vector<2x48x128xi1>
      %and3A_345 = arith.andi %and3A, %ge3A_344 : vector<2x48x128xi1>
      %or3A = arith.ori %ge3A_342, %and3A_345 : vector<2x48x128xi1>
      %broadcast_in_dim3A_346 = vector.broadcast %while3A_148 : f32 to vector<2x48x128xf32>
      %select_n3A_347 = arith.select %or3A, %broadcast_in_dim3A_346, %while3A_155 : vector<2x48x128xi1>, vector<2x48x128xf32>
      %gt3A_348 = vector.broadcast %mul3A_136 : f32 to vector<2x1x1xf32>
      %gt3A_349 = arith.cmpf ogt, %broadcast_in_dim3A_180, %gt3A_348 : vector<2x1x1xf32>
      %eq3A_350 = arith.constant 0 : i32
      %eq3A_351 = vector.broadcast %eq3A_350 : i32 to vector<1x1x128xi32>
      %eq3A_352 = arith.cmpi eq, %iota3A_133, %eq3A_351 : vector<1x1x128xi32>
      %eq3A_353 = arith.constant 1 : i32
      %eq3A_354 = vector.broadcast %eq3A_353 : i32 to vector<1x1x128xi32>
      %eq3A_355 = arith.cmpi eq, %iota3A_133, %eq3A_354 : vector<1x1x128xi32>
      %eq3A_356 = arith.constant 2 : i32
      %eq3A_357 = vector.broadcast %eq3A_356 : i32 to vector<1x1x128xi32>
      %eq3A_358 = arith.cmpi eq, %iota3A_133, %eq3A_357 : vector<1x1x128xi32>
      %broadcast_in_dim3A_359 = vector.shape_cast %eq3A_358 : vector<1x1x128xi1> to vector<1x1x128xi1>
      %broadcast_in_dim3A_360 = vector.broadcast %broadcast_in_dim3A_359 : vector<1x1x128xi1> to vector<2x1x128xi1>
      %broadcast_in_dim3A_361 = vector.shape_cast %broadcast_in_dim3A_213 : vector<2x1x1xf32> to vector<2x1x1xf32>
      %broadcast_in_dim3A_362 = vector.broadcast %broadcast_in_dim3A_361 : vector<2x1x1xf32> to vector<2x1x128xf32>
      %broadcast_in_dim3A_363 = vector.shape_cast %broadcast_in_dim3A_221 : vector<2x1x1xf32> to vector<2x1x1xf32>
      %broadcast_in_dim3A_364 = vector.broadcast %broadcast_in_dim3A_363 : vector<2x1x1xf32> to vector<2x1x128xf32>
      %select_n3A_365 = arith.select %broadcast_in_dim3A_360, %broadcast_in_dim3A_362, %broadcast_in_dim3A_364 : vector<2x1x128xi1>, vector<2x1x128xf32>
      %broadcast_in_dim3A_366 = vector.shape_cast %eq3A_355 : vector<1x1x128xi1> to vector<1x1x128xi1>
      %broadcast_in_dim3A_367 = vector.broadcast %broadcast_in_dim3A_366 : vector<1x1x128xi1> to vector<2x1x128xi1>
      %broadcast_in_dim3A_368 = vector.shape_cast %broadcast_in_dim3A_205 : vector<2x1x1xf32> to vector<2x1x1xf32>
      %broadcast_in_dim3A_369 = vector.broadcast %broadcast_in_dim3A_368 : vector<2x1x1xf32> to vector<2x1x128xf32>
      %select_n3A_370 = arith.select %broadcast_in_dim3A_367, %broadcast_in_dim3A_369, %select_n3A_365 : vector<2x1x128xi1>, vector<2x1x128xf32>
      %broadcast_in_dim3A_371 = vector.shape_cast %eq3A_352 : vector<1x1x128xi1> to vector<1x1x128xi1>
      %broadcast_in_dim3A_372 = vector.broadcast %broadcast_in_dim3A_371 : vector<1x1x128xi1> to vector<2x1x128xi1>
      %broadcast_in_dim3A_373 = vector.shape_cast %broadcast_in_dim3A_197 : vector<2x1x1xf32> to vector<2x1x1xf32>
      %broadcast_in_dim3A_374 = vector.broadcast %broadcast_in_dim3A_373 : vector<2x1x1xf32> to vector<2x1x128xf32>
      %select_n3A_375 = arith.select %broadcast_in_dim3A_372, %broadcast_in_dim3A_374, %select_n3A_370 : vector<2x1x128xi1>, vector<2x1x128xf32>
      %broadcast_in_dim3A_376 = vector.shape_cast %gt3A_349 : vector<2x1x1xi1> to vector<2x1x1xi1>
      %broadcast_in_dim3A_377 = vector.broadcast %broadcast_in_dim3A_376 : vector<2x1x1xi1> to vector<2x1x128xi1>
      %broadcast_in_dim3A_378 = vector.broadcast %while3A_147 : f32 to vector<2x1x128xf32>
      %select_n3A_379 = arith.select %broadcast_in_dim3A_377, %select_n3A_375, %broadcast_in_dim3A_378 : vector<2x1x128xi1>, vector<2x1x128xf32>
      %swap3A_380 = arith.constant 0 : index
      %swap3A_381 = arith.index_cast %while3A_154 : i32 to index
      %swap3A_382 = arith.constant 0 : index
      %swap3A_383 = vector.load %arg1[%swap3A_380, %swap3A_381, %swap3A_382] : memref<2x1000x128xf32, #tpu.memory_space<vmem>>, vector<2x1x128xf32>
      tpu.vector_store %arg1[%swap3A_380, %swap3A_381, %swap3A_382], %select_n3A_379 {strides = array<i32>} : memref<2x1000x128xf32, #tpu.memory_space<vmem>>, vector<2x1x128xf32>,
      %sub3A_384 = arith.constant 1 : i32
      %sub3A_385 = arith.subi %while3A_151, %sub3A_384 : i32
      %lt3A_386 = arith.cmpi slt, %while3A_154, %sub3A_385 : i32
      %and3A_387 = arith.andi %gt3A_341, %lt3A_386 : i1
      %convert_element_type3A_388 = arith.extui %and3A_387 : i1 to i32
      %cond3A = arith.constant 0 : i32
      %cond3A_389 = arith.cmpi ne, %convert_element_type3A_388, %cond3A : i32
      scf.if %cond3A_389 {
        %gt3A_393 = vector.broadcast %mul3A_136 : f32 to vector<2x1x1xf32>
        %gt3A_394 = arith.cmpf ogt, %broadcast_in_dim3A_229, %gt3A_393 : vector<2x1x1xf32>
        %eq3A_395 = arith.constant 0 : i32
        %eq3A_396 = vector.broadcast %eq3A_395 : i32 to vector<1x1x128xi32>
        %eq3A_397 = arith.cmpi eq, %iota3A_133, %eq3A_396 : vector<1x1x128xi32>
        %eq3A_398 = arith.constant 1 : i32
        %eq3A_399 = vector.broadcast %eq3A_398 : i32 to vector<1x1x128xi32>
        %eq3A_400 = arith.cmpi eq, %iota3A_133, %eq3A_399 : vector<1x1x128xi32>
        %eq3A_401 = arith.constant 2 : i32
        %eq3A_402 = vector.broadcast %eq3A_401 : i32 to vector<1x1x128xi32>
        %eq3A_403 = arith.cmpi eq, %iota3A_133, %eq3A_402 : vector<1x1x128xi32>
        %broadcast_in_dim3A_404 = vector.shape_cast %eq3A_403 : vector<1x1x128xi1> to vector<1x1x128xi1>
        %broadcast_in_dim3A_405 = vector.broadcast %broadcast_in_dim3A_404 : vector<1x1x128xi1> to vector<2x1x128xi1>
        %broadcast_in_dim3A_406 = vector.shape_cast %broadcast_in_dim3A_265 : vector<2x1x1xf32> to vector<2x1x1xf32>
        %broadcast_in_dim3A_407 = vector.broadcast %broadcast_in_dim3A_406 : vector<2x1x1xf32> to vector<2x1x128xf32>
        %broadcast_in_dim3A_408 = vector.shape_cast %broadcast_in_dim3A_273 : vector<2x1x1xf32> to vector<2x1x1xf32>
        %broadcast_in_dim3A_409 = vector.broadcast %broadcast_in_dim3A_408 : vector<2x1x1xf32> to vector<2x1x128xf32>
        %select_n3A_410 = arith.select %broadcast_in_dim3A_405, %broadcast_in_dim3A_407, %broadcast_in_dim3A_409 : vector<2x1x128xi1>, vector<2x1x128xf32>
        %broadcast_in_dim3A_411 = vector.shape_cast %eq3A_400 : vector<1x1x128xi1> to vector<1x1x128xi1>
        %broadcast_in_dim3A_412 = vector.broadcast %broadcast_in_dim3A_411 : vector<1x1x128xi1> to vector<2x1x128xi1>
        %broadcast_in_dim3A_413 = vector.shape_cast %broadcast_in_dim3A_257 : vector<2x1x1xf32> to vector<2x1x1xf32>
        %broadcast_in_dim3A_414 = vector.broadcast %broadcast_in_dim3A_413 : vector<2x1x1xf32> to vector<2x1x128xf32>
        %select_n3A_415 = arith.select %broadcast_in_dim3A_412, %broadcast_in_dim3A_414, %select_n3A_410 : vector<2x1x128xi1>, vector<2x1x128xf32>
        %broadcast_in_dim3A_416 = vector.shape_cast %eq3A_397 : vector<1x1x128xi1> to vector<1x1x128xi1>
        %broadcast_in_dim3A_417 = vector.broadcast %broadcast_in_dim3A_416 : vector<1x1x128xi1> to vector<2x1x128xi1>
        %broadcast_in_dim3A_418 = vector.shape_cast %broadcast_in_dim3A_249 : vector<2x1x1xf32> to vector<2x1x1xf32>
        %broadcast_in_dim3A_419 = vector.broadcast %broadcast_in_dim3A_418 : vector<2x1x1xf32> to vector<2x1x128xf32>
        %select_n3A_420 = arith.select %broadcast_in_dim3A_417, %broadcast_in_dim3A_419, %select_n3A_415 : vector<2x1x128xi1>, vector<2x1x128xf32>
        %broadcast_in_dim3A_421 = vector.shape_cast %gt3A_394 : vector<2x1x1xi1> to vector<2x1x1xi1>
        %broadcast_in_dim3A_422 = vector.broadcast %broadcast_in_dim3A_421 : vector<2x1x1xi1> to vector<2x1x128xi1>
        %broadcast_in_dim3A_423 = vector.broadcast %while3A_147 : f32 to vector<2x1x128xf32>
        %select_n3A_424 = arith.select %broadcast_in_dim3A_422, %select_n3A_420, %broadcast_in_dim3A_423 : vector<2x1x128xi1>, vector<2x1x128xf32>
        %add3A_425 = arith.constant 1 : i32
        %add3A_426 = arith.addi %while3A_154, %add3A_425 : i32
        %swap3A_427 = arith.constant 0 : index
        %swap3A_428 = arith.index_cast %add3A_426 : i32 to index
        %swap3A_429 = arith.constant 0 : index
        %swap3A_430 = vector.load %arg1[%swap3A_427, %swap3A_428, %swap3A_429] : memref<2x1000x128xf32, #tpu.memory_space<vmem>>, vector<2x1x128xf32>
        tpu.vector_store %arg1[%swap3A_427, %swap3A_428, %swap3A_429], %select_n3A_424 {strides = array<i32>} : memref<2x1000x128xf32, #tpu.memory_space<vmem>>, vector<2x1x128xf32>,
      } else {
      }
      %add3A_390 = arith.constant 1 : i32
      %add3A_391 = arith.addi %while3A_154, %add3A_390 : i32
      %add3A_392 = arith.addi %add3A_391, %reduce_min3A_340 : i32
      scf.yield %add3A_392, %select_n3A_347 : i32, vector<2x48x128xf32>
    }
    return
  }
}

</mosaic_0001>

<sc_bundles>
// kernel: kernel.5.cloned.1.call-start
scs
__scs_entry_jumppad:
0x0: {  	(pc) =	sbr.rel $0x88, $3  }
0x1: {  	(tag) =	ssettag $0x0;
	lr =	simm.s32 $0x1  }
0x2: {  	[smem:$0x3F9E] =	sst lr;
	_ =	strace $0xD0000000  }
0x3: {  	_ = 	snop  }
0x4: {  	_ = 	snop  }
0x5: {  	_ = 	snop  }
0x6: {  	_ = 	snop  }
0x7: {  	_ = 	snop  }
__scs_overlays_trampoline_lowered:
0x8: {  	[smem:$0x3FAD] =	sst s0  }
0x9: {  	[smem:$0x3FAE] =	sst s1  }
0xa: {  	[smem:$0x3FAF] =	sst s2  }
0xb: {  	[smem:$0x3FB0] =	sst s3  }
0xc: {  	[smem:$0x3FB1] =	sst s4  }
0xd: {  	[smem:$0x3FB2] =	sst s5  }
0xe: {  	[smem:$0x3FB3] =	sst s6  }
0xf: {  	[smem:$0x3FB4] =	sst s7  }
0x10: {  	[smem:$0x3FB5] =	sst s8  }
0x11: {  	[smem:$0x3FB6] =	sst s9;
	s0 =	simm.s32 @!p0 $0x0  }
0x12: {  	s1 =	sld [smem:$0x3F9C];
	s0 =	simm.s32 @p0 $0x1  }
0x13: {  	[smem:$0x3FB7] =	sst s0;
	s0 =	simm.s32 @!p1 $0x0  }
0x14: {  	s2 =	sld [smem:$0x3F9B];
	s0 =	simm.s32 @p1 $0x1  }
0x15: {  	[smem:$0x3FB8] =	sst s0;
	s0 =	simm.s32 @!p2 $0x0  }
0x16: {  	s3 =	sld [smem:$0x3FDB];
	s0 =	simm.s32 @p2 $0x1  }
0x17: {  	s4 =	simm.s32 $0x1BF5;
	[smem:$0x3FBA] =	sst s0  }
0x18: {  	s0 =	sld [smem:$0x3F9D];
	_ =	swait.ge [sflag:s4], $0x0  }
0x19: {  	s7 =	sld [smem:$0x3F9E]  }
0x1a: {  	s8 =	sadd.s32 $0xFFFFE003, lr  }
0x1b: {  	s9 =	sadd.s32 $0xFFFFFEF7, lr;
	s5 =	simm.s32 $0xFFFFFFFF;
	p2 =	slt.u32 s8, $0xFFFFF086  }
0x1c: {  	p1 =	slt.u32 s9, $0xF7A;
	s5 =	simm.s32 @!p2 $0x0  }
0x1d: {  	s5 =	simm.s32 @p1 $0x1;
	p0 =	seq.s32 s7, s2  }
0x1e: {  	s7 =	smul.u32 @!p0 $0xF7A, s2;
	p2 =	seq.s32 @!p0 s5, $0x0  }
0x1f: {  	s9 =	smul.u32 $0xF7A, s1;
	s8 =	simm.s32 @!p0 $0x1BF5;
	p2 =	por !p2, p0  }
0x20: {  	[sflag:s8] =	ssyncset.s32 @!p0 $0xFFFFF086;
	s6 =	sadd.s32 @!p0 s3, s7;
	s7 =	simm.s32 @!p0 $0x108  }
0x21: {  	s3 =	sadd.s32 s3, s9;
	s6 =	sadd.s32 @!p0 $0x88, s6;
	s7 =	simm.s32 @p2 $0x1082  }
0x22: {  	[simem:s7], [sflag:s8] =	dma.local @!p0 [hbm:s6], $0xF7A  }
0x23: {  	s9 =	sor.u32 $0xD0000000, s2;
	s6 =	simm.s32 $0x108;
	_ =	swait.ge @!p0 [sflag:s8], $0x0  }
0x24: {  	s3 =	sadd.s32 $0x88, s3;
	s6 =	simm.s32 @!p1 $0x1082;
	[sflag:s4] =	ssyncset.s32 $0xFFFFF086  }
0x25: {  	[simem:s6], [sflag:s4] =	dma.local [hbm:s3], $0xF7A  }
0x26: {  	[smem:$0x3F9E] =	sst s1;
	(tag) =	ssettag s2;
	_ =	strace s9  }
0x27: {  	s1 =	sld [smem:$0x3FAE]  }
0x28: {  	s2 =	sld [smem:$0x3FAF]  }
0x29: {  	s4 =	sld [smem:$0x3FB1]  }
0x2a: {  	p0 =	seq.s32 s5, $0x0;
	s5 =	sld [smem:$0x3FB2]  }
0x2b: {  	s6 =	sld [smem:$0x3FB3]  }
0x2c: {  	s7 =	sld [smem:$0x3FB4]  }
0x2d: {  	s3 =	simm.s32 $0x108;
	s8 =	sld [smem:$0x3FB5]  }
0x2e: {  	s3 =	simm.s32 @!p0 $0x1082;
	s9 =	sld [smem:$0x3FB6]  }
0x2f: {  	lr =	sadd.s32 s0, s3;
	s0 =	sld [smem:$0x3FAD]  }
0x30: {  	s3 =	sld [smem:$0x3FB0]  }
0x31: {  	[smem:$0x3FB9] =	sst s10  }
0x32: {  	s10 =	sld [smem:$0x3FB7];
	_ =	sdelay $0x3  }
0x33: {  	p0 =	seq.s32 s10, $0x1;
	s10 =	sld [smem:$0x3FB9];
	_ =	sdelay $0x3  }
0x34: {  	[smem:$0x3FB9] =	sst s10  }
0x35: {  	s10 =	sld [smem:$0x3FB8];
	_ =	sdelay $0x3  }
0x36: {  	p1 =	seq.s32 s10, $0x1;
	s10 =	sld [smem:$0x3FB9];
	_ =	sdelay $0x3  }
0x37: {  	[smem:$0x3FB9] =	sst s10  }
0x38: {  	s10 =	sld [smem:$0x3FBA]  }
0x39: {  	_ = 	snop;
	(pc) =	sbr.ind lr, $3  }
0x3a: {  	_ = 	snop  }
0x3b: {  	_ = 	snop  }
0x3c: {  	p2 =	seq.s32 s10, $0x1;
	s10 =	sld [smem:$0x3FB9]  }
0x3d: {  	_ =	shalt  }
0x3e: {  	_ =	shalt  }
0x3f: {  	_ =	shalt  }
0x40: {  	_ =	shalt  }
0x41: {  	_ =	shalt  }
0x42: {  	_ =	shalt  }
0x43: {  	_ =	shalt  }
0x44: {  	_ =	shalt  }
0x45: {  	_ =	shalt  }
0x46: {  	_ =	shalt  }
0x47: {  	_ =	shalt  }
0x48: {  	_ =	shalt  }
0x49: {  	_ =	shalt  }
0x4a: {  	_ =	shalt  }
0x4b: {  	_ =	shalt  }
0x4c: {  	_ =	shalt  }
0x4d: {  	_ =	shalt  }
0x4e: {  	_ =	shalt  }
0x4f: {  	_ =	shalt  }
0x50: {  	_ =	shalt  }
0x51: {  	_ =	shalt  }
0x52: {  	_ =	shalt  }
0x53: {  	_ =	shalt  }
0x54: {  	_ =	shalt  }
0x55: {  	_ =	shalt  }
0x56: {  	_ =	shalt  }
0x57: {  	_ =	shalt  }
0x58: {  	_ =	shalt  }
0x59: {  	_ =	shalt  }
0x5a: {  	_ =	shalt  }
0x5b: {  	_ =	shalt  }
0x5c: {  	_ =	shalt  }
0x5d: {  	_ =	shalt  }
0x5e: {  	_ =	shalt  }
0x5f: {  	_ =	shalt  }
0x60: {  	_ =	shalt  }
0x61: {  	_ =	shalt  }
0x62: {  	_ =	shalt  }
0x63: {  	_ =	shalt  }
0x64: {  	_ =	shalt  }
0x65: {  	_ =	shalt  }
0x66: {  	_ =	shalt  }
0x67: {  	_ =	shalt  }
0x68: {  	_ =	shalt  }
0x69: {  	_ =	shalt  }
0x6a: {  	_ =	shalt  }
0x6b: {  	_ =	shalt  }
0x6c: {  	_ =	shalt  }
0x6d: {  	_ =	shalt  }
0x6e: {  	_ =	shalt  }
0x6f: {  	_ =	shalt  }
0x70: {  	_ =	shalt  }
0x71: {  	_ =	shalt  }
0x72: {  	_ =	shalt  }
0x73: {  	_ =	shalt  }
0x74: {  	_ =	shalt  }
0x75: {  	_ =	shalt  }
0x76: {  	_ =	shalt  }
0x77: {  	_ =	shalt  }
0x78: {  	_ =	shalt  }
0x79: {  	_ =	shalt  }
0x7a: {  	_ =	shalt  }
0x7b: {  	_ =	shalt  }
0x7c: {  	_ =	shalt  }
0x7d: {  	_ =	shalt  }
0x7e: {  	_ =	shalt  }
0x7f: {  	_ =	shalt  }
0x80: {  	_ =	shalt  }
0x81: {  	_ =	shalt  }
0x82: {  	_ =	shalt  }
0x83: {  	_ =	shalt  }
0x84: {  	_ =	shalt  }
0x85: {  	_ =	shalt  }
0x86: {  	_ =	shalt  }
0x87: {  	_ =	shalt  }
.Lfunc_end0:
.L_simem_size_0:
called_computation_lowered:
.L_overlay_start_0:
0x88: {  	s2 =	sld [smem:$0x3FD9]  }
0x89: {  	s3 =	sld [smem:$0x3FFE];
	_ =	sdelay $0x1  }
0x8a: {  	s1 =	srdreg.scid  }
0x8b: {  	s0 =	sand.u32 $0x1, s1  }
0x8c: {  	s16 =	sshll.u32 s0, $0xA;
	s2 =	sadd.s32 s3, s2  }
0x8d: {  	s2 =	sadd.s32 s2, s16  }
0x8e: {  	[smem:$0x3FC5] =	sst s2  }
0x8f: {  	_ = 	snop  }
0x90: {  	(tm) =	ssettm $0x1  }
0x91: {  	s17 =	sld [smem:$0x3FFB];
	_ =	sdelay $0x3  }
0x92: {  	_ =	strace s17  }
0x93: {  	s2 =	sld [smem:$0x3FFC];
	_ =	sdelay $0x3  }
0x94: {  	_ =	strace s2  }
0x95: {  	s2 =	sld [smem:$0x3FFD];
	_ =	sdelay $0x3  }
0x96: {  	_ =	strace s2  }
0x97: {  	_ =	strace $0x8FFFFFFF  }
0x98: {  	s18 =	sld [smem:$0x3FDB];
	_ =	sdelay $0x1  }
0x99: {  	s19 =	simm.s32 $_scs_section_size  }
0x9a: {  	s4 =	simm.s32 $_size__tile_overlayer_lowered;
	s5 =	simm.s32 $_tile_overlayer_lowered  }
0x9b: {  	s22 =	simm.s32 $0x1BFF;
	s21 =	sshll.u32 s5, $0x1;
	s2 =	sadd.s32 s19, s18  }
0x9c: {  	s6 =	simm.s32 $0x0;
	s20 =	sshll.u32 s4, $0x1;
	s4 =	sadd.s32 s21, s2  }
0x9d: {  	[timem:s6], [sflag:s22] =	dma.local [hbm:s4], s20  }
0x9e: {  	_ =	swait.ge [sflag:s22], s20  }
0x9f: {  	s3 =	ssub.s32 $0x0, s20;
	[sflag:s22] =	ssyncset.done $0x0  }
0xa0: {  	[sflag:s22] =	ssyncadd.s32 s3;
	_ =	sdelay $0x1  }
0xa1: {  	s23 =	simm.s32 $0x1B8B  }
0xa2: {  	_ =	swait.ge [sflag:s23], $0x1  }
0xa3: {  	[sflag:s23] =	ssyncset.done $0x0  }
0xa4: {  	s25 =	simm.s32 $0x1B8E;
	s24 =	sld [smem:$0x3FFE];
	[sflag:s23] =	ssyncadd.s32 $0xFFFFFFFF  }
0xa5: {  	s26 =	simm.s32 $execute0_lowered;
	[smem:$0x3FD2] =	sst s25  }
0xa6: {  	s4 =	sshll.u32 s26, $0x1;
	_ =	strace $0x80000046;
	[dreg:$0x1] =	wrdreg $0xFFFFFFFF  }
0xa7: {  	s28 =	simm.s32 $_size_execute0_lowered;
	s2 =	sadd.s32 s2, s4;
	[dreg:$0x0] =	wrdreg $0x0  }
0xa8: {  	s4 =	sshll.u32 s28, $0x1;
	[dreg:$0x2] =	wrdreg s2  }
0xa9: {  	[dreg:$0x3] =	wrdreg s4  }
0xaa: {  	[dreg:$0x4] =	wrdreg $0xC0  }
0xab: {  	_ =	task [dreg:s6], $0x5FFFF  }
0xac: {  	[dreg:$0x1] =	wrdreg $0xFFFFFFFF  }
0xad: {  	[dreg:$0x0] =	wrdreg $0x60  }
0xae: {  	[dreg:$0x2] =	wrdreg s24  }
0xaf: {  	[dreg:$0x3] =	wrdreg $0x9  }
0xb0: {  	_ =	task.clear_ibuf [dreg:s6], $0x4FFFF;
	_ =	strace $0x90000046  }
0xb1: {  	s29 =	simm.s32 $0x9;
	_ =	strace $0x80000048  }
0xb2: {  	_ =	swait.ge [sflag:s29], $0x1  }
0xb3: {  	[sflag:s29] =	ssyncadd.s32 $0xFFFFFFFF  }
0xb4: {  	_ =	strace $0x90000048  }
0xb5: {  	_ =	sfence  }
0xb6: {  	s30 =	sld [smem:$0x0];
	_ =	sdelay $0x2  }
0xb7: {  	s31 =	sshll.u32 s1, $0xD;
	s1 =	sshrl.u32 s1, $0x2  }
0xb8: {  	s3 =	sand.u32 $0x4000, s31;
	s1 =	sadd.s32 s1, s30  }
0xb9: {  	s0 =	sor.u32 s3, s0;
	s1 =	sshll.u32 s1, $0x11  }
0xba: {  	s0 =	sor.u32 s1, s0  }
0xbb: {  	s0 =	sadd.s32 $0x8F2B, s0  }
0xbc: {  	[sflag:s0] =	ssyncadd.remote.s32 $0x1  }
0xbd: {  	_ =	sfence.sel $0xFFFF  }
0xbe: {  	[dreg:$0x0] =	wrdreg $0xFFFFFFFF;
	(pc) =	sbr.abs _section_cstart, $3  }
0xbf: {  	[dreg:$0x1] =	wrdreg $0xFFFFFFFF  }
0xc0: {  	_ =	task.clear_ibuf [dreg:s6], $0x2FFFF;
	_ =	strace $0x9FFFFFFF  }
0xc1: {  	(tm) =	ssettm $0x7FFFFFFF  }
tec
execute0_lowered:
.L_overlay_start_1:
0x0: {  	(tag) =	ssettag $0x1  }
0x1: {  	s1 =	srdreg.scid;
	s0 =	stileid.u32  }
0x2: {  	s29 =	sand.u32 $0x1, s1;
	s31 =	sshll.u32 s0, $0x1  }
0x3: {  	s3 =	sor.u32 s29, s31  }
0x4: {  	s7 =	rddreg [dreg:$0x0];
	s2 =	simm.s32 $0x0;
	s4 =	smul.u32 $0xA00, s3  }
0x5: {  	[smem:$0x7FF] =	sst s2  }
0x6: {  	s1 =	rddreg [dreg:$0x1];
	_ =	strace $0x80000047;
	s4 =	sadd.s32 s4, s7  }
0x7: {  	s5 =	smul.u32 $0xA0, s3;
	s3 =	sadd.s32 $0xA1C00, s4;
	s4 =	simm.s32 $0x2  }
0x8: {  	[tilespmem:s2], [sflag:$0x2] =	stream.linear.gather [hbm4b:s3+s2], $0x5000, $0x38;
	[tilespmem:$0x5500] =	vst v63  }
0x9: {  	_ =	swait.ge [sflag:s4], $0x5000  }
0xa: {  	s5 =	sadd.s32 s5, s7;
	[sflag:s4] =	ssyncset.done $0x0  }
0xb: {  	s6 =	simm.s32 $0x5000;
	s5 =	sadd.s32 $0x800, s5;
	[sflag:s4] =	ssyncadd.s32 $0xFFFFB000  }
0xc: {  	[tilespmem:s6], [sflag:$0x2] =	stream.linear.gather [hbm4b:s5+s2], $0x500, $0x38;
	[tilespmem:$0x5500] =	vst v63  }
0xd: {  	_ =	swait.ge [sflag:s4], $0x500  }
0xe: {  	[sflag:s4] =	ssyncset.done $0x0  }
0xf: {  	s8 =	simm.s32 $0x80;
	s7 =	sadd.s32 $0x1C00, s7;
	[sflag:s4] =	ssyncadd.s32 $0xFFFFFB00  }
0x10: {  	[hbm4b:s7+s8] =	stream.indirect.scatter [tilespmem:s2], [sflag:$0x1], $0x10, s6, s8, $0xb8;
	[tilespmem:$0x5500] =	vst v63  }
0x11: {  	s9 =	simm.s32 $0x5080;
	s10 =	simm.s32 $0x800  }
0x12: {  	[hbm4b:s7+s8] =	stream.indirect.scatter [tilespmem:s10], [sflag:$0x1], $0x10, s9, s8, $0xb8;
	[tilespmem:$0x5500] =	vst v63  }
0x13: {  	s11 =	simm.s32 $0x5100;
	s12 =	simm.s32 $0x1000  }
0x14: {  	[hbm4b:s7+s8] =	stream.indirect.scatter [tilespmem:s12], [sflag:$0x1], $0x10, s11, s8, $0xb8;
	[tilespmem:$0x5500] =	vst v63  }
0x15: {  	s13 =	simm.s32 $0x5180;
	s14 =	simm.s32 $0x1800  }
0x16: {  	[hbm4b:s7+s8] =	stream.indirect.scatter [tilespmem:s14], [sflag:$0x1], $0x10, s13, s8, $0xb8;
	[tilespmem:$0x5500] =	vst v63  }
0x17: {  	s15 =	simm.s32 $0x5200;
	s16 =	simm.s32 $0x2000  }
0x18: {  	[hbm4b:s7+s8] =	stream.indirect.scatter [tilespmem:s16], [sflag:$0x1], $0x10, s15, s8, $0xb8;
	[tilespmem:$0x5500] =	vst v63  }
0x19: {  	s17 =	simm.s32 $0x5280;
	s18 =	simm.s32 $0x2800  }
0x1a: {  	[hbm4b:s7+s8] =	stream.indirect.scatter [tilespmem:s18], [sflag:$0x1], $0x10, s17, s8, $0xb8;
	[tilespmem:$0x5500] =	vst v63  }
0x1b: {  	s19 =	simm.s32 $0x5300;
	s20 =	simm.s32 $0x3000  }
0x1c: {  	[hbm4b:s7+s8] =	stream.indirect.scatter [tilespmem:s20], [sflag:$0x1], $0x10, s19, s8, $0xb8;
	[tilespmem:$0x5500] =	vst v63  }
0x1d: {  	s21 =	simm.s32 $0x5380;
	s22 =	simm.s32 $0x3800  }
0x1e: {  	[hbm4b:s7+s8] =	stream.indirect.scatter [tilespmem:s22], [sflag:$0x1], $0x10, s21, s8, $0xb8;
	[tilespmem:$0x5500] =	vst v63  }
0x1f: {  	s23 =	simm.s32 $0x5400;
	s24 =	simm.s32 $0x4000  }
0x20: {  	[hbm4b:s7+s8] =	stream.indirect.scatter [tilespmem:s24], [sflag:$0x1], $0x10, s23, s8, $0xb8;
	[tilespmem:$0x5500] =	vst v63  }
0x21: {  	s25 =	simm.s32 $0x5480;
	s26 =	simm.s32 $0x4800;
	s28 =	simm.s32 $0x1  }
0x22: {  	[hbm4b:s7+s8] =	stream.indirect.scatter [tilespmem:s26], [sflag:$0x1], $0x10, s25, s8, $0xb8;
	[tilespmem:$0x5500] =	vst v63  }
0x23: {  	_ =	swait.ge [sflag:s28], $0x800  }
0x24: {  	[sflag:s28] =	ssyncset.done $0x0  }
0x25: {  	[sflag:s28] =	ssyncadd.s32 $0xFFFFF800  }
0x26: {  	_ =	swait.ge [sflag:s28], $0x800  }
0x27: {  	[sflag:s28] =	ssyncset.done $0x0  }
0x28: {  	[sflag:s28] =	ssyncadd.s32 $0xFFFFF800  }
0x29: {  	_ =	swait.ge [sflag:s28], $0x800  }
0x2a: {  	[sflag:s28] =	ssyncset.done $0x0  }
0x2b: {  	[sflag:s28] =	ssyncadd.s32 $0xFFFFF800  }
0x2c: {  	_ =	swait.ge [sflag:s28], $0x800  }
0x2d: {  	[sflag:s28] =	ssyncset.done $0x0  }
0x2e: {  	[sflag:s28] =	ssyncadd.s32 $0xFFFFF800  }
0x2f: {  	_ =	swait.ge [sflag:s28], $0x800  }
0x30: {  	[sflag:s28] =	ssyncset.done $0x0  }
0x31: {  	[sflag:s28] =	ssyncadd.s32 $0xFFFFF800  }
0x32: {  	_ =	swait.ge [sflag:s28], $0x800  }
0x33: {  	[sflag:s28] =	ssyncset.done $0x0  }
0x34: {  	[sflag:s28] =	ssyncadd.s32 $0xFFFFF800  }
0x35: {  	_ =	swait.ge [sflag:s28], $0x800  }
0x36: {  	s29 =	ssub.s32 $0x2, s29;
	[sflag:s28] =	ssyncset.done $0x0  }
0x37: {  	s30 =	sshrl.u32 s29, $0x1;
	[sflag:s28] =	ssyncadd.s32 $0xFFFFF800  }
0x38: {  	s29 =	ssub.s32 s29, s30;
	_ =	swait.ge [sflag:s28], $0x800  }
0x39: {  	s29 =	smax.u32 s29, $0x1;
	[sflag:s28] =	ssyncset.done $0x0  }
0x3a: {  	p0 =	sne.s32 s29, $0x1;
	[sflag:s28] =	ssyncadd.s32 $0xFFFFF800  }
.Ltmp0:
0x3b: {  	_ =	swait.ge [sflag:s28], $0x800;
	(pc) =	sbr.rel @!p0 .LBB2_2-.Ltmp0, $4  }
0x3c: {  	[sflag:s28] =	ssyncset.done $0x0  }
0x3d: {  	[sflag:s28] =	ssyncadd.s32 $0xFFFFF800  }
0x3e: {  	_ =	swait.ge [sflag:s28], $0x800  }
0x3f: {  	s29 =	sadd.s32 $0xFFFFFFFF, s29;
	[sflag:s28] =	ssyncset.done $0x0  }
.LBB2_1:
0x40: {  	p0 =	sne.s32 s29, $0x1;
	s29 =	sadd.s32 $0xFFFFFFFF, s29;
	[sflag:s28] =	ssyncadd.s32 $0xFFFFF800  }
0x41: {  	[tilespmem:s2], [sflag:$0x2] =	stream.linear.gather [hbm4b:s3+s2], $0x5000, $0x38;
	[tilespmem:$0x5500] =	vst v63  }
0x42: {  	_ =	swait.ge [sflag:s4], $0x5000  }
0x43: {  	[sflag:s4] =	ssyncset.done $0x0  }
0x44: {  	[sflag:s4] =	ssyncadd.s32 $0xFFFFB000  }
0x45: {  	[tilespmem:s6], [sflag:$0x2] =	stream.linear.gather [hbm4b:s5+s2], $0x500, $0x38;
	[tilespmem:$0x5500] =	vst v63  }
0x46: {  	_ =	swait.ge [sflag:s4], $0x500  }
0x47: {  	[sflag:s4] =	ssyncset.done $0x0  }
0x48: {  	[sflag:s4] =	ssyncadd.s32 $0xFFFFFB00  }
0x49: {  	[hbm4b:s7+s8] =	stream.indirect.scatter [tilespmem:s2], [sflag:$0x1], $0x10, s6, s8, $0xb8;
	[tilespmem:$0x5500] =	vst v63  }
0x4a: {  	_ = 	snop  }
0x4b: {  	[hbm4b:s7+s8] =	stream.indirect.scatter [tilespmem:s10], [sflag:$0x1], $0x10, s9, s8, $0xb8;
	[tilespmem:$0x5500] =	vst v63  }
0x4c: {  	_ = 	snop  }
0x4d: {  	[hbm4b:s7+s8] =	stream.indirect.scatter [tilespmem:s12], [sflag:$0x1], $0x10, s11, s8, $0xb8;
	[tilespmem:$0x5500] =	vst v63  }
0x4e: {  	_ = 	snop  }
0x4f: {  	[hbm4b:s7+s8] =	stream.indirect.scatter [tilespmem:s14], [sflag:$0x1], $0x10, s13, s8, $0xb8;
	[tilespmem:$0x5500] =	vst v63  }
0x50: {  	_ = 	snop  }
0x51: {  	[hbm4b:s7+s8] =	stream.indirect.scatter [tilespmem:s16], [sflag:$0x1], $0x10, s15, s8, $0xb8;
	[tilespmem:$0x5500] =	vst v63  }
0x52: {  	_ = 	snop  }
0x53: {  	[hbm4b:s7+s8] =	stream.indirect.scatter [tilespmem:s18], [sflag:$0x1], $0x10, s17, s8, $0xb8;
	[tilespmem:$0x5500] =	vst v63  }
0x54: {  	_ = 	snop  }
0x55: {  	[hbm4b:s7+s8] =	stream.indirect.scatter [tilespmem:s20], [sflag:$0x1], $0x10, s19, s8, $0xb8;
	[tilespmem:$0x5500] =	vst v63  }
0x56: {  	_ = 	snop  }
0x57: {  	[hbm4b:s7+s8] =	stream.indirect.scatter [tilespmem:s22], [sflag:$0x1], $0x10, s21, s8, $0xb8;
	[tilespmem:$0x5500] =	vst v63  }
0x58: {  	_ = 	snop  }
0x59: {  	[hbm4b:s7+s8] =	stream.indirect.scatter [tilespmem:s24], [sflag:$0x1], $0x10, s23, s8, $0xb8;
	[tilespmem:$0x5500] =	vst v63  }
0x5a: {  	_ = 	snop  }
0x5b: {  	[hbm4b:s7+s8] =	stream.indirect.scatter [tilespmem:s26], [sflag:$0x1], $0x10, s25, s8, $0xb8;
	[tilespmem:$0x5500] =	vst v63  }
0x5c: {  	_ =	swait.ge [sflag:s28], $0x800  }
0x5d: {  	[sflag:s28] =	ssyncset.done $0x0  }
0x5e: {  	[sflag:s28] =	ssyncadd.s32 $0xFFFFF800  }
0x5f: {  	_ =	swait.ge [sflag:s28], $0x800  }
0x60: {  	[sflag:s28] =	ssyncset.done $0x0  }
0x61: {  	[sflag:s28] =	ssyncadd.s32 $0xFFFFF800  }
0x62: {  	_ =	swait.ge [sflag:s28], $0x800  }
0x63: {  	[sflag:s28] =	ssyncset.done $0x0  }
0x64: {  	[sflag:s28] =	ssyncadd.s32 $0xFFFFF800  }
0x65: {  	_ =	swait.ge [sflag:s28], $0x800  }
0x66: {  	[sflag:s28] =	ssyncset.done $0x0  }
0x67: {  	[sflag:s28] =	ssyncadd.s32 $0xFFFFF800  }
0x68: {  	_ =	swait.ge [sflag:s28], $0x800  }
0x69: {  	[sflag:s28] =	ssyncset.done $0x0  }
0x6a: {  	[sflag:s28] =	ssyncadd.s32 $0xFFFFF800  }
0x6b: {  	_ =	swait.ge [sflag:s28], $0x800  }
0x6c: {  	[sflag:s28] =	ssyncset.done $0x0  }
0x6d: {  	[sflag:s28] =	ssyncadd.s32 $0xFFFFF800  }
0x6e: {  	_ =	swait.ge [sflag:s28], $0x800  }
0x6f: {  	[sflag:s28] =	ssyncset.done $0x0  }
0x70: {  	[sflag:s28] =	ssyncadd.s32 $0xFFFFF800  }
0x71: {  	_ =	swait.ge [sflag:s28], $0x800  }
0x72: {  	[sflag:s28] =	ssyncset.done $0x0  }
0x73: {  	[sflag:s28] =	ssyncadd.s32 $0xFFFFF800  }
.Ltmp1:
0x74: {  	_ =	swait.ge [sflag:s28], $0x800;
	(pc) =	sbr.rel @p0 .LBB2_1-.Ltmp1, $4  }
0x75: {  	[sflag:s28] =	ssyncset.done $0x0  }
0x76: {  	[sflag:s28] =	ssyncadd.s32 $0xFFFFF800  }
0x77: {  	_ =	swait.ge [sflag:s28], $0x800  }
0x78: {  	[sflag:s28] =	ssyncset.done $0x0  }
.LBB2_2:
0x79: {  	[sflag:s28] =	ssyncadd.s32 $0xFFFFF800  }
0x7a: {  	_ =	sfence.sel $0x180000  }
0x7b: {  	[bflag:$0x0] =	sbarrier.arrive $0xFFFF  }
0x7c: {  	p0 =	sne.s32 s0, $0x0;
	_ =	strace $0x90000047  }
0x7d: {  	s0 =	sadd.s32 @!p0 $0x100000, s1;
	[bflag:$0x2] =	sbarrier.arrive $0xFFFF  }
0x7e: {  	[sflag:s0] =	ssyncadd.tile.s32 @!p0 $0x1;
	_ =	shalt  }
.Lfunc_end2:
_tile_overlayer_lowered:
.L_overlay_start_2:
0x7f: {  	(tag) =	ssettag $0x2  }
0x80: {  	s0 =	rddreg [dreg:$0x0];
	s2 =	stileid.u32  }
0x81: {  	s1 =	rddreg [dreg:$0x1];
	p0 =	sne.s32 s2, $0x0  }
0x82: {  	s3 =	rddreg [dreg:$0x2];
	[bflag:$0x3] =	sbarrier.arrive $0xFFFF;
	s2 =	simm.s32 @!p0 $0x1C02  }
0x83: {  	[timem:s3], [sflag:s2] =	dma.local @!p0 [hbm:s0], s1  }
0x84: {  	s0 =	simm.s32 @!p0 $0x2  }
0x85: {  	_ =	swait.ge @!p0 [sflag:s0], s1  }
0x86: {  	s1 =	ssub.s32 @!p0 $0x0, s1;
	[sflag:s0] =	ssyncset.done @!p0 $0x0  }
0x87: {  	[sflag:s0] =	ssyncadd.s32 @!p0 s1  }
0x88: {  	[bflag:$0x3] =	sbarrier.arrive $0xFFFF  }
0x89: {  	_ =	shalt  }

</sc_bundles>
